<compile_context>
chip_gen: v7x
topology: tpu7x:2x2x1
jax: 0.10.2.dev20260603
libtpu: 0.0.44.dev20260713+nightly
codegen_flags: <defaults>
</compile_context>

<pallas_src>
import functools

import jax
import jax.numpy as jnp
from jax import lax
from jax.experimental import pallas as pl
from jax.experimental.pallas import tpu as pltpu
from jax.experimental.pallas import tpu_sc as plsc

N = 10000
E = 320000
D = 128

NC = 2
NS = 16
NW = NC * NS
EPW = E // NW
C = 80
NCHUNK = EPW // C
BN = 400


def _pre_body(x_ref, w_ref, a_ref, h_ref, s1_ref, s2_ref):
    h = lax.dot_general(x_ref[...], w_ref[...], (((1,), (1,)), ((), ())),
                        preferred_element_type=jnp.float32)
    h_ref[...] = h
    av = a_ref[...]
    s1_ref[...] = lax.dot_general(h, av[:, :D], (((1,), (1,)), ((), ())),
                                  preferred_element_type=jnp.float32)
    s2_ref[...] = lax.dot_general(h, av[:, D:], (((1,), (1,)), ((), ())),
                                  preferred_element_type=jnp.float32)


def _stage1(x, W, a):
    return pl.pallas_call(
        _pre_body,
        grid=(N // BN,),
        in_specs=[
            pl.BlockSpec((BN, D), lambda i: (i, 0)),
            pl.BlockSpec((D, D), lambda i: (0, 0)),
            pl.BlockSpec((1, 2 * D), lambda i: (0, 0)),
        ],
        out_specs=[
            pl.BlockSpec((BN, D), lambda i: (i, 0)),
            pl.BlockSpec((BN, 1), lambda i: (i, 0)),
            pl.BlockSpec((BN, 1), lambda i: (i, 0)),
        ],
        out_shape=[
            jax.ShapeDtypeStruct((N, D), jnp.float32),
            jax.ShapeDtypeStruct((N, 1), jnp.float32),
            jax.ShapeDtypeStruct((N, 1), jnp.float32),
        ],
    )(x, W, a)


def _sc_score_body(src_hbm, dst_hbm, s1_hbm, s2_hbm,
                   e_out, seg_out,
                   src2d, dst2d, s1_v, s2_v, e_all, seg_sp):
    cid = lax.axis_index("c")
    sid = lax.axis_index("s")
    wid = sid * NC + cid

    z16 = jnp.zeros((16,), jnp.float32)

    def zero_s1(i, _):
        s1_v[pl.ds(i * 16, 16)] = z16
        return 0
    lax.fori_loop(0, 40, zero_s1, 0)

    @pl.when(sid < 15)
    def _():
        pltpu.sync_copy(s1_v.at[pl.ds(0, 640)], seg_sp.at[pl.ds(sid * 640, 640)])

    @pl.when(sid == 15)
    def _():
        pltpu.sync_copy(s1_v.at[pl.ds(0, 400)], seg_sp.at[pl.ds(15 * 640, 400)])

    pltpu.sync_copy(s1_hbm, s1_v)
    pltpu.sync_copy(s2_hbm, s2_v)
    pltpu.sync_copy(src_hbm.at[wid], src2d)
    pltpu.sync_copy(dst_hbm.at[wid], dst2d)

    plsc.subcore_barrier()

    iota16 = lax.iota(jnp.int32, 16)

    def lp(j, _):
        kv = j * 16 + iota16
        rv = kv // C
        cv = kv % C
        si = plsc.load_gather(src2d, [rv, cv])
        di = plsc.load_gather(dst2d, [rv, cv])
        v = plsc.load_gather(s1_v, [si]) + plsc.load_gather(s2_v, [di])
        v = jnp.where(v >= 0.0, v, 0.2 * v)
        e_all[pl.ds(j * 16, 16)] = jnp.exp(v)
        return 0
    lax.fori_loop(0, EPW // 16, lp, 0)

    def seg_chunk(c, _):
        pltpu.sync_copy(e_all.at[pl.ds(c * C, C)],
                        seg_sp.at[dst2d.at[c]], add=True)
        return 0
    lax.fori_loop(0, NCHUNK, seg_chunk, 0)

    pltpu.sync_copy(e_all, e_out.at[wid])
    plsc.subcore_barrier()

    @pl.when(sid == 0)
    def _():
        pltpu.sync_copy(seg_sp, seg_out.at[cid])


def _sc_agg_body(h_hbm, src_hbm, dst_hbm, e_hbm,
                 agg_out,
                 src2d, dst2d, e_all, rows0, rows1, agg_sp, sem0, sem1):
    cid = lax.axis_index("c")
    sid = lax.axis_index("s")
    wid = sid * NC + cid

    z16 = jnp.zeros((16,), jnp.float32)
    rbase = sid * 640

    def zero_rows(i, _):
        rows0[i // 8, pl.ds((i % 8) * 16, 16)] = z16
        return 0
    lax.fori_loop(0, C * 8, zero_rows, 0)

    for j in range(5):
        pltpu.sync_copy(rows0, agg_sp.at[pl.ds(rbase + j * C, C)])

    @pl.when(sid < 15)
    def _():
        for j in range(5, 8):
            pltpu.sync_copy(rows0, agg_sp.at[pl.ds(rbase + j * C, C)])

    pltpu.sync_copy(src_hbm.at[wid], src2d)
    pltpu.sync_copy(dst_hbm.at[wid], dst2d)
    pltpu.sync_copy(e_hbm.at[wid], e_all)

    plsc.subcore_barrier()

    def fire(c, buf, sem):
        pltpu.async_copy(h_hbm.at[src2d.at[c]], buf, sem)

    def drain(buf, sem):
        pltpu.make_async_copy(h_hbm.at[pl.ds(0, C)], buf, sem).wait()

    def process(c, buf):
        def scale_row(r, _):
            ev = plsc.load_gather(
                e_all, [jnp.full((16,), c * C + r, jnp.int32)])
            for k in range(D // 16):
                buf[r, pl.ds(k * 16, 16)] = buf[r, pl.ds(k * 16, 16)] * ev
            return 0
        lax.fori_loop(0, C, scale_row, 0)
        pltpu.sync_copy(buf, agg_sp.at[dst2d.at[c]], add=True)

    fire(0, rows0, sem0)

    def pair(i, _):
        c0 = 2 * i
        fire(c0 + 1, rows1, sem1)
        drain(rows0, sem0)
        process(c0, rows0)

        @pl.when(c0 + 2 < NCHUNK)
        def _():
            fire(c0 + 2, rows0, sem0)

        drain(rows1, sem1)
        process(c0 + 1, rows1)
        return 0

    lax.fori_loop(0, NCHUNK // 2, pair, 0)
    drain(rows0, sem0)
    process(NCHUNK - 1, rows0)

    plsc.subcore_barrier()

    @pl.when(sid < 15)
    def _():
        pltpu.sync_copy(agg_sp.at[pl.ds(rbase, 640)],
                        agg_out.at[cid, pl.ds(rbase, 640)])

    @pl.when(sid == 15)
    def _():
        pltpu.sync_copy(agg_sp.at[pl.ds(9600, 400)],
                        agg_out.at[cid, pl.ds(9600, 400)])


def _sc_mesh():
    return plsc.VectorSubcoreMesh(core_axis_name="c", subcore_axis_name="s",
                                  num_cores=NC, num_subcores=NS)


def _stage2(h, src, dst, s1, s2):
    e, seg = pl.kernel(
        _sc_score_body,
        out_type=[
            jax.ShapeDtypeStruct((NW, EPW), jnp.float32),
            jax.ShapeDtypeStruct((NC, N), jnp.float32),
        ],
        mesh=_sc_mesh(),
        compiler_params=pltpu.CompilerParams(needs_layout_passes=False, use_tc_tiling_on_sc=False),
        scratch_types=[
            pltpu.VMEM((NCHUNK, C), jnp.int32),
            pltpu.VMEM((NCHUNK, C), jnp.int32),
            pltpu.VMEM((N,), jnp.float32),
            pltpu.VMEM((N,), jnp.float32),
            pltpu.VMEM((EPW,), jnp.float32),
            pltpu.VMEM_SHARED((N,), jnp.float32),
        ],
    )(src, dst, s1, s2)

    agg = pl.kernel(
        _sc_agg_body,
        out_type=jax.ShapeDtypeStruct((NC, N, D), jnp.float32),
        mesh=_sc_mesh(),
        compiler_params=pltpu.CompilerParams(needs_layout_passes=False, use_tc_tiling_on_sc=False),
        scratch_types=[
            pltpu.VMEM((NCHUNK, C), jnp.int32),
            pltpu.VMEM((NCHUNK, C), jnp.int32),
            pltpu.VMEM((EPW,), jnp.float32),
            pltpu.VMEM((C, D), jnp.float32),
            pltpu.VMEM((C, D), jnp.float32),
            pltpu.VMEM_SHARED((N, D), jnp.float32),
            pltpu.SemaphoreType.DMA,
            pltpu.SemaphoreType.DMA,
        ],
    )(h, src, dst, e)

    return agg, seg


def _post_body(x_ref, p0_ref, p1_ref, g0_ref, g1_ref, gamma_ref, beta_ref,
               o_ref):
    denom = g0_ref[...] + g1_ref[...] + 1e-16
    hf = (p0_ref[...] + p1_ref[...]) / denom + x_ref[...]
    mean = jnp.mean(hf, axis=1, keepdims=True)
    d = hf - mean
    var = jnp.mean(d * d, axis=1, keepdims=True)
    o_ref[...] = d * lax.rsqrt(var + 1e-5) * gamma_ref[...] + beta_ref[...]


def _stage3(x, agg, seg, gamma, beta):
    seg3 = seg.reshape(NC, N, 1)
    return pl.pallas_call(
        _post_body,
        grid=(N // BN,),
        in_specs=[
            pl.BlockSpec((BN, D), lambda i: (i, 0)),
            pl.BlockSpec((None, BN, D), lambda i: (0, i, 0)),
            pl.BlockSpec((None, BN, D), lambda i: (1, i, 0)),
            pl.BlockSpec((None, BN, 1), lambda i: (0, i, 0)),
            pl.BlockSpec((None, BN, 1), lambda i: (1, i, 0)),
            pl.BlockSpec((1, D), lambda i: (0, 0)),
            pl.BlockSpec((1, D), lambda i: (0, 0)),
        ],
        out_specs=pl.BlockSpec((BN, D), lambda i: (i, 0)),
        out_shape=jax.ShapeDtypeStruct((N, D), jnp.float32),
    )(x, agg, agg, seg3, seg3, gamma.reshape(1, D), beta.reshape(1, D))


@jax.jit
def kernel(x, edge_index, W, a, gamma, beta):
    src = edge_index[0].reshape(NW, NCHUNK, C)
    dst = edge_index[1].reshape(NW, NCHUNK, C)
    h, s1, s2 = _stage1(x, W, a)
    agg, seg = _stage2(h, src, dst, s1.reshape(N), s2.reshape(N))
    return _stage3(x, agg, seg, gamma, beta)

# --- scband reference (transcript-rebuilt; emitter-appended) ---
"""Pipeline reference for scband-simple-attention-layer-86260123174625 (READ-ONLY COPY).

The authoritative reference and input builder live on the scoring server;
editing this copy changes nothing except your own understanding.
"""

import jax, jax.numpy as jnp
import numpy as np

N = 10000
E = 320000
D = 128

def setup_inputs(seed: int = 0) -> dict:
    key = jax.random.key(seed)
    k1, k2, k3, k4 = jax.random.split(key, 4)
    x = jax.random.normal(k1, (N, D), dtype=jnp.float32)
    edge_index = jax.random.randint(k2, (2, E), 0, N, dtype=jnp.int32)
    # Xavier-uniform-ish init scaled like the torch module
    W = jax.random.normal(k3, (D, D), dtype=jnp.float32) * (np.sqrt(2.0) / np.sqrt(D))
    a = jax.random.normal(k4, (1, 2 * D), dtype=jnp.float32) * (np.sqrt(2.0) / np.sqrt(2 * D))
    gamma = jnp.ones((D,), dtype=jnp.float32)
    beta = jnp.zeros((D,), dtype=jnp.float32)
    return {"x": x, "edge_index": edge_index, "W": W, "a": a, "gamma": gamma, "beta": beta}

def reference(x, edge_index, W, a, gamma, beta):
    Nn = x.shape[0]
    # linear_transform (no bias)
    h = x @ W.T
    src = edge_index[0]
    dst = edge_index[1]
    h_src = jnp.take(h, src, axis=0)
    h_dst = jnp.take(h, dst, axis=0)
    edge_attn_input = jnp.concatenate([h_src, h_dst], axis=-1)
    raw_scores = (edge_attn_input @ a.T).squeeze(-1)
    raw_scores = jax.nn.leaky_relu(raw_scores, 0.2)
    # scatter_softmax over dst segments
    seg_max = jax.ops.segment_max(raw_scores, dst, num_segments=Nn)
    seg_max = jnp.where(jnp.isfinite(seg_max), seg_max, 0.0)
    exp_s = jnp.exp(raw_scores - jnp.take(seg_max, dst, axis=0))
    seg_sum = jax.ops.segment_sum(exp_s, dst, num_segments=Nn)
    alpha = exp_s / (jnp.take(seg_sum, dst, axis=0) + 1e-16)
    # dropout p=0.0 (no-op)
    messages = h_src * alpha[:, None]
    h_agg = jax.ops.segment_sum(messages, dst, num_segments=Nn)
    # residual (input_dim == output_dim -> no projection)
    h_final = h_agg + x
    # LayerNorm (eps=1e-5, biased variance)
    mean = h_final.mean(axis=-1, keepdims=True)
    var = jnp.mean((h_final - mean) ** 2, axis=-1, keepdims=True)
    h_final = (h_final - mean) / jnp.sqrt(var + 1e-5) * gamma + beta
    return h_final

if __name__ == "__main__":
    import jax
    _d = setup_inputs()
    print(jax.jit(kernel)(*tuple(_d.values())))

</pallas_src>

<mosaic_0001>
#map = affine_map<(d0, d1) -> (0, 0, 0)>
#map1 = affine_map<(d0, d1) -> (0)>
#map2 = affine_map<(d0, d1) -> (0, 0)>
module attributes {stable_mosaic.version = 14 : i64} {
  func.func @_sc_score_body(%arg0: i32, %arg1: i32, %arg2: memref<32x125x80xi32, #tpu.memory_space<hbm>>, %arg3: memref<32x125x80xi32, #tpu.memory_space<hbm>>, %arg4: memref<10000xf32, #tpu.memory_space<hbm>>, %arg5: memref<10000xf32, #tpu.memory_space<hbm>>, %arg6: memref<32x10000xf32, #tpu.memory_space<hbm>>, %arg7: memref<2x10000xf32, #tpu.memory_space<hbm>>, %arg8: memref<125x80xi32, #tpu.memory_space<vmem>>, %arg9: memref<125x80xi32, #tpu.memory_space<vmem>>, %arg10: memref<10000xf32, #tpu.memory_space<vmem>>, %arg11: memref<10000xf32, #tpu.memory_space<vmem>>, %arg12: memref<10000xf32, #tpu.memory_space<vmem>>, %arg13: memref<10000xf32, #tpu.memory_space<vmem_shared>>) attributes {dimension_semantics = [#tpu.dimension_semantics<core_parallel>, #tpu.dimension_semantics<subcore_parallel>], iteration_bounds = array<i64: 2, 16>, scalar_prefetch = 0 : i64, scratch_operands = 6 : i64, tpu.core_type = #tpu.core_type<sc_vector_subcore>, window_params = [{transform_indices = #map}, {transform_indices = #map}, {transform_indices = #map1}, {transform_indices = #map1}, {transform_indices = #map2}, {transform_indices = #map2}]} {
    %mul3A = arith.constant 2 : i32
    %mul3A_0 = arith.muli %arg1, %mul3A : i32
    %add3A = arith.addi %mul3A_0, %arg0 : i32
    %broadcast_in_dim3A = arith.constant 0.000000e+00 : f32
    %broadcast_in_dim3A_1 = vector.broadcast %broadcast_in_dim3A : f32 to vector<16xf32>
    %scan3A = arith.constant 0 : i32
    %scan3A_2 = arith.constant 0 : i32
    %scan3A_3 = arith.constant 40 : i32
    %scan3A_4 = arith.addi %scan3A_2, %scan3A_3 : i32
    %scan3A_5 = arith.constant 1 : i32
    %scan3A_6 = scf.for %scan3A_34 = %scan3A_2 to %scan3A_4 step %scan3A_5 iter_args(%scan3A_35 = %scan3A) -> (i32)  : i32 {
      %mul3A_36 = arith.constant 16 : i32
      %mul3A_37 = arith.muli %scan3A_34, %mul3A_36 : i32
      %swap3A = arith.index_cast %mul3A_37 : i32 to index
      %swap3A_38 = tpu.vector_load %arg10[%swap3A] {strides = array<i32>} : memref<10000xf32, #tpu.memory_space<vmem>>, vector<16xf32>,
      tpu.vector_store %arg10[%swap3A], %broadcast_in_dim3A_1 {strides = array<i32>} : memref<10000xf32, #tpu.memory_space<vmem>>, vector<16xf32>,
      %scan3A_39 = arith.constant 0 : i32
      scf.yield %scan3A_39 : i32
    }
    %scan3A_7 = arith.constant 40 : i32
    %lt3A = arith.constant 15 : i32
    %lt3A_8 = arith.cmpi slt, %arg1, %lt3A : i32
    %convert_element_type3A = arith.extui %lt3A_8 : i1 to i32
    %cond3A = arith.constant 0 : i32
    %cond3A_9 = arith.cmpi ne, %convert_element_type3A, %cond3A : i32
    scf.if %cond3A_9 {
      %mul3A_34 = arith.constant 640 : i32
      %mul3A_35 = arith.muli %arg1, %mul3A_34 : i32
      "tpu.region"() ({
        %run_scoped3A = tpu.sem_alloc : memref<!tpu.dma_semaphore, #tpu.memory_space<semaphore_mem>>
        %dma_start3A = arith.constant 0 : i32
        %dma_start3A_36 = tpu.memref_slice %arg10[%dma_start3A] : memref<10000xf32, #tpu.memory_space<vmem>> -> memref<640xf32, #tpu.memory_space<vmem>>
        %dma_start3A_37 = tpu.memref_slice %arg13[%mul3A_35] : memref<10000xf32, #tpu.memory_space<vmem_shared>> -> memref<640xf32, #tpu.memory_space<vmem_shared>>
        %dma_start3A_38 = tpu.memref_slice %arg13[%mul3A_35] : memref<10000xf32, #tpu.memory_space<vmem_shared>> -> memref<640xf32, #tpu.memory_space<vmem_shared>>
        %dma_start3A_39 = arith.constant 0 : i32
        %dma_start3A_40 = tpu.memref_slice %arg10[%dma_start3A_39] : memref<10000xf32, #tpu.memory_space<vmem>> -> memref<640xf32, #tpu.memory_space<vmem>>
        tpu.enqueue_dma source(%dma_start3A_40 : memref<640xf32, #tpu.memory_space<vmem>>) target(%dma_start3A_38 : memref<640xf32, #tpu.memory_space<vmem_shared>>) target_semaphore(%run_scoped3A : memref<!tpu.dma_semaphore, #tpu.memory_space<semaphore_mem>>)
        %dma_wait3A = arith.constant 0 : i32
        %dma_wait3A_41 = tpu.memref_slice %arg10[%dma_wait3A] : memref<10000xf32, #tpu.memory_space<vmem>> -> memref<640xf32, #tpu.memory_space<vmem>>
        %dma_wait3A_42 = tpu.memref_slice %arg13[%mul3A_35] : memref<10000xf32, #tpu.memory_space<vmem_shared>> -> memref<640xf32, #tpu.memory_space<vmem_shared>>
        %dma_wait3A_43 = tpu.memref_slice %arg13[%mul3A_35] : memref<10000xf32, #tpu.memory_space<vmem_shared>> -> memref<640xf32, #tpu.memory_space<vmem_shared>>
        %dma_wait3A_44 = arith.constant 0 : i32
        %dma_wait3A_45 = tpu.memref_slice %arg10[%dma_wait3A_44] : memref<10000xf32, #tpu.memory_space<vmem>> -> memref<640xf32, #tpu.memory_space<vmem>>
        tpu.wait_dma2 semaphore(%run_scoped3A : memref<!tpu.dma_semaphore, #tpu.memory_space<semaphore_mem>>) src(%dma_wait3A_45 : memref<640xf32, #tpu.memory_space<vmem>>) dst(%dma_wait3A_43 : memref<640xf32, #tpu.memory_space<vmem_shared>>)
        tpu.yield
      }) : () -> ()
    } else {
    }
    %eq3A = arith.constant 15 : i32
    %eq3A_10 = arith.cmpi eq, %arg1, %eq3A : i32
    %convert_element_type3A_11 = arith.extui %eq3A_10 : i1 to i32
    %cond3A_12 = arith.constant 0 : i32
    %cond3A_13 = arith.cmpi ne, %convert_element_type3A_11, %cond3A_12 : i32
    scf.if %cond3A_13 {
      "tpu.region"() ({
        %run_scoped3A = tpu.sem_alloc : memref<!tpu.dma_semaphore, #tpu.memory_space<semaphore_mem>>
        %dma_start3A = arith.constant 0 : i32
        %dma_start3A_34 = tpu.memref_slice %arg10[%dma_start3A] : memref<10000xf32, #tpu.memory_space<vmem>> -> memref<400xf32, #tpu.memory_space<vmem>>
        %dma_start3A_35 = arith.constant 9600 : i32
        %dma_start3A_36 = tpu.memref_slice %arg13[%dma_start3A_35] : memref<10000xf32, #tpu.memory_space<vmem_shared>> -> memref<400xf32, #tpu.memory_space<vmem_shared>>
        %dma_start3A_37 = arith.constant 9600 : i32
        %dma_start3A_38 = tpu.memref_slice %arg13[%dma_start3A_37] : memref<10000xf32, #tpu.memory_space<vmem_shared>> -> memref<400xf32, #tpu.memory_space<vmem_shared>>
        %dma_start3A_39 = arith.constant 0 : i32
        %dma_start3A_40 = tpu.memref_slice %arg10[%dma_start3A_39] : memref<10000xf32, #tpu.memory_space<vmem>> -> memref<400xf32, #tpu.memory_space<vmem>>
        tpu.enqueue_dma source(%dma_start3A_40 : memref<400xf32, #tpu.memory_space<vmem>>) target(%dma_start3A_38 : memref<400xf32, #tpu.memory_space<vmem_shared>>) target_semaphore(%run_scoped3A : memref<!tpu.dma_semaphore, #tpu.memory_space<semaphore_mem>>)
        %dma_wait3A = arith.constant 0 : i32
        %dma_wait3A_41 = tpu.memref_slice %arg10[%dma_wait3A] : memref<10000xf32, #tpu.memory_space<vmem>> -> memref<400xf32, #tpu.memory_space<vmem>>
        %dma_wait3A_42 = arith.constant 9600 : i32
        %dma_wait3A_43 = tpu.memref_slice %arg13[%dma_wait3A_42] : memref<10000xf32, #tpu.memory_space<vmem_shared>> -> memref<400xf32, #tpu.memory_space<vmem_shared>>
        %dma_wait3A_44 = arith.constant 9600 : i32
        %dma_wait3A_45 = tpu.memref_slice %arg13[%dma_wait3A_44] : memref<10000xf32, #tpu.memory_space<vmem_shared>> -> memref<400xf32, #tpu.memory_space<vmem_shared>>
        %dma_wait3A_46 = arith.constant 0 : i32
        %dma_wait3A_47 = tpu.memref_slice %arg10[%dma_wait3A_46] : memref<10000xf32, #tpu.memory_space<vmem>> -> memref<400xf32, #tpu.memory_space<vmem>>
        tpu.wait_dma2 semaphore(%run_scoped3A : memref<!tpu.dma_semaphore, #tpu.memory_space<semaphore_mem>>) src(%dma_wait3A_47 : memref<400xf32, #tpu.memory_space<vmem>>) dst(%dma_wait3A_45 : memref<400xf32, #tpu.memory_space<vmem_shared>>)
        tpu.yield
      }) : () -> ()
    } else {
    }
    "tpu.region"() ({
      %run_scoped3A = tpu.sem_alloc : memref<!tpu.dma_semaphore, #tpu.memory_space<semaphore_mem>>
      tpu.enqueue_dma source(%arg4 : memref<10000xf32, #tpu.memory_space<hbm>>) target(%arg10 : memref<10000xf32, #tpu.memory_space<vmem>>) target_semaphore(%run_scoped3A : memref<!tpu.dma_semaphore, #tpu.memory_space<semaphore_mem>>)
      tpu.wait_dma2 semaphore(%run_scoped3A : memref<!tpu.dma_semaphore, #tpu.memory_space<semaphore_mem>>) src(%arg4 : memref<10000xf32, #tpu.memory_space<hbm>>) dst(%arg10 : memref<10000xf32, #tpu.memory_space<vmem>>)
      tpu.yield
    }) : () -> ()
    "tpu.region"() ({
      %run_scoped3A = tpu.sem_alloc : memref<!tpu.dma_semaphore, #tpu.memory_space<semaphore_mem>>
      tpu.enqueue_dma source(%arg5 : memref<10000xf32, #tpu.memory_space<hbm>>) target(%arg11 : memref<10000xf32, #tpu.memory_space<vmem>>) target_semaphore(%run_scoped3A : memref<!tpu.dma_semaphore, #tpu.memory_space<semaphore_mem>>)
      tpu.wait_dma2 semaphore(%run_scoped3A : memref<!tpu.dma_semaphore, #tpu.memory_space<semaphore_mem>>) src(%arg5 : memref<10000xf32, #tpu.memory_space<hbm>>) dst(%arg11 : memref<10000xf32, #tpu.memory_space<vmem>>)
      tpu.yield
    }) : () -> ()
    "tpu.region"() ({
      %run_scoped3A = tpu.sem_alloc : memref<!tpu.dma_semaphore, #tpu.memory_space<semaphore_mem>>
      %dma_start3A = arith.constant 0 : i32
      %dma_start3A_34 = arith.constant 0 : i32
      %dma_start3A_35 = tpu.memref_slice %arg2[%add3A, %dma_start3A, %dma_start3A_34] : memref<32x125x80xi32, #tpu.memory_space<hbm>> -> memref<1x125x80xi32, #tpu.memory_space<hbm>>
      %dma_start3A_36 = tpu.memref_squeeze %dma_start3A_35 : memref<1x125x80xi32, #tpu.memory_space<hbm>> -> memref<125x80xi32, #tpu.memory_space<hbm>>
      %dma_start3A_37 = arith.constant 0 : i32
      %dma_start3A_38 = arith.constant 0 : i32
      %dma_start3A_39 = tpu.memref_slice %arg2[%add3A, %dma_start3A_37, %dma_start3A_38] : memref<32x125x80xi32, #tpu.memory_space<hbm>> -> memref<1x125x80xi32, #tpu.memory_space<hbm>>
      %dma_start3A_40 = tpu.memref_squeeze %dma_start3A_39 : memref<1x125x80xi32, #tpu.memory_space<hbm>> -> memref<125x80xi32, #tpu.memory_space<hbm>>
      tpu.enqueue_dma source(%dma_start3A_40 : memref<125x80xi32, #tpu.memory_space<hbm>>) target(%arg8 : memref<125x80xi32, #tpu.memory_space<vmem>>) target_semaphore(%run_scoped3A : memref<!tpu.dma_semaphore, #tpu.memory_space<semaphore_mem>>)
      %dma_wait3A = arith.constant 0 : i32
      %dma_wait3A_41 = arith.constant 0 : i32
      %dma_wait3A_42 = tpu.memref_slice %arg2[%add3A, %dma_wait3A, %dma_wait3A_41] : memref<32x125x80xi32, #tpu.memory_space<hbm>> -> memref<1x125x80xi32, #tpu.memory_space<hbm>>
      %dma_wait3A_43 = tpu.memref_squeeze %dma_wait3A_42 : memref<1x125x80xi32, #tpu.memory_space<hbm>> -> memref<125x80xi32, #tpu.memory_space<hbm>>
      %dma_wait3A_44 = arith.constant 0 : i32
      %dma_wait3A_45 = arith.constant 0 : i32
      %dma_wait3A_46 = tpu.memref_slice %arg2[%add3A, %dma_wait3A_44, %dma_wait3A_45] : memref<32x125x80xi32, #tpu.memory_space<hbm>> -> memref<1x125x80xi32, #tpu.memory_space<hbm>>
      %dma_wait3A_47 = tpu.memref_squeeze %dma_wait3A_46 : memref<1x125x80xi32, #tpu.memory_space<hbm>> -> memref<125x80xi32, #tpu.memory_space<hbm>>
      tpu.wait_dma2 semaphore(%run_scoped3A : memref<!tpu.dma_semaphore, #tpu.memory_space<semaphore_mem>>) src(%dma_wait3A_47 : memref<125x80xi32, #tpu.memory_space<hbm>>) dst(%arg8 : memref<125x80xi32, #tpu.memory_space<vmem>>)
      tpu.yield
    }) : () -> ()
    "tpu.region"() ({
      %run_scoped3A = tpu.sem_alloc : memref<!tpu.dma_semaphore, #tpu.memory_space<semaphore_mem>>
      %dma_start3A = arith.constant 0 : i32
      %dma_start3A_34 = arith.constant 0 : i32
      %dma_start3A_35 = tpu.memref_slice %arg3[%add3A, %dma_start3A, %dma_start3A_34] : memref<32x125x80xi32, #tpu.memory_space<hbm>> -> memref<1x125x80xi32, #tpu.memory_space<hbm>>
      %dma_start3A_36 = tpu.memref_squeeze %dma_start3A_35 : memref<1x125x80xi32, #tpu.memory_space<hbm>> -> memref<125x80xi32, #tpu.memory_space<hbm>>
      %dma_start3A_37 = arith.constant 0 : i32
      %dma_start3A_38 = arith.constant 0 : i32
      %dma_start3A_39 = tpu.memref_slice %arg3[%add3A, %dma_start3A_37, %dma_start3A_38] : memref<32x125x80xi32, #tpu.memory_space<hbm>> -> memref<1x125x80xi32, #tpu.memory_space<hbm>>
      %dma_start3A_40 = tpu.memref_squeeze %dma_start3A_39 : memref<1x125x80xi32, #tpu.memory_space<hbm>> -> memref<125x80xi32, #tpu.memory_space<hbm>>
      tpu.enqueue_dma source(%dma_start3A_40 : memref<125x80xi32, #tpu.memory_space<hbm>>) target(%arg9 : memref<125x80xi32, #tpu.memory_space<vmem>>) target_semaphore(%run_scoped3A : memref<!tpu.dma_semaphore, #tpu.memory_space<semaphore_mem>>)
      %dma_wait3A = arith.constant 0 : i32
      %dma_wait3A_41 = arith.constant 0 : i32
      %dma_wait3A_42 = tpu.memref_slice %arg3[%add3A, %dma_wait3A, %dma_wait3A_41] : memref<32x125x80xi32, #tpu.memory_space<hbm>> -> memref<1x125x80xi32, #tpu.memory_space<hbm>>
      %dma_wait3A_43 = tpu.memref_squeeze %dma_wait3A_42 : memref<1x125x80xi32, #tpu.memory_space<hbm>> -> memref<125x80xi32, #tpu.memory_space<hbm>>
      %dma_wait3A_44 = arith.constant 0 : i32
      %dma_wait3A_45 = arith.constant 0 : i32
      %dma_wait3A_46 = tpu.memref_slice %arg3[%add3A, %dma_wait3A_44, %dma_wait3A_45] : memref<32x125x80xi32, #tpu.memory_space<hbm>> -> memref<1x125x80xi32, #tpu.memory_space<hbm>>
      %dma_wait3A_47 = tpu.memref_squeeze %dma_wait3A_46 : memref<1x125x80xi32, #tpu.memory_space<hbm>> -> memref<125x80xi32, #tpu.memory_space<hbm>>
      tpu.wait_dma2 semaphore(%run_scoped3A : memref<!tpu.dma_semaphore, #tpu.memory_space<semaphore_mem>>) src(%dma_wait3A_47 : memref<125x80xi32, #tpu.memory_space<hbm>>) dst(%arg9 : memref<125x80xi32, #tpu.memory_space<vmem>>)
      tpu.yield
    }) : () -> ()
    %barrier3A = arith.constant 0 : index
    tpu.barrier barrier_id(%barrier3A)
    %iota3A = tpu.iota {dimensions = array<i32: 0>} : vector<16xi32>
    %scan3A_14 = arith.constant 0 : i32
    %scan3A_15 = arith.constant 0 : i32
    %scan3A_16 = arith.constant 625 : i32
    %scan3A_17 = arith.addi %scan3A_15, %scan3A_16 : i32
    %scan3A_18 = arith.constant 1 : i32
    %scan3A_19 = scf.for %scan3A_34 = %scan3A_15 to %scan3A_17 step %scan3A_18 iter_args(%scan3A_35 = %scan3A_14) -> (i32)  : i32 {
      %mul3A_36 = arith.constant 16 : i32
      %mul3A_37 = arith.muli %scan3A_34, %mul3A_36 : i32
      %add3A_38 = vector.broadcast %mul3A_37 : i32 to vector<16xi32>
      %add3A_39 = arith.addi %add3A_38, %iota3A : vector<16xi32>
      %jit3A = arith.constant 80 : i32
      %div3A = vector.broadcast %jit3A : i32 to vector<16xi32>
      %div3A_40 = arith.divsi %add3A_39, %div3A : vector<16xi32>
      %sign3A = arith.constant 0 : i32
      %sign3A_41 = vector.broadcast %sign3A : i32 to vector<16xi32>
      %sign3A_42 = arith.cmpi sgt, %add3A_39, %sign3A_41 : vector<16xi32>
      %sign3A_43 = arith.extui %sign3A_42 : vector<16xi1> to vector<16xi32>
      %sign3A_44 = arith.constant 0 : i32
      %sign3A_45 = vector.broadcast %sign3A_44 : i32 to vector<16xi32>
      %sign3A_46 = arith.cmpi slt, %add3A_39, %sign3A_45 : vector<16xi32>
      %sign3A_47 = arith.extui %sign3A_46 : vector<16xi1> to vector<16xi32>
      %sign3A_48 = arith.subi %sign3A_43, %sign3A_47 : vector<16xi32>
      %sign3A_49 = arith.constant 0 : i32
      %sign3A_50 = arith.cmpi sgt, %jit3A, %sign3A_49 : i32
      %sign3A_51 = arith.extui %sign3A_50 : i1 to i32
      %sign3A_52 = arith.constant 0 : i32
      %sign3A_53 = arith.cmpi slt, %jit3A, %sign3A_52 : i32
      %sign3A_54 = arith.extui %sign3A_53 : i1 to i32
      %sign3A_55 = arith.subi %sign3A_51, %sign3A_54 : i32
      %ne3A = vector.broadcast %sign3A_55 : i32 to vector<16xi32>
      %ne3A_56 = arith.cmpi ne, %sign3A_48, %ne3A : vector<16xi32>
      %rem3A = vector.broadcast %jit3A : i32 to vector<16xi32>
      %rem3A_57 = arith.remsi %add3A_39, %rem3A : vector<16xi32>
      %ne3A_58 = arith.constant 0 : i32
      %ne3A_59 = vector.broadcast %ne3A_58 : i32 to vector<16xi32>
      %ne3A_60 = arith.cmpi ne, %rem3A_57, %ne3A_59 : vector<16xi32>
      %and3A = arith.andi %ne3A_56, %ne3A_60 : vector<16xi1>
      %sub3A = arith.constant 1 : i32
      %sub3A_61 = vector.broadcast %sub3A : i32 to vector<16xi32>
      %sub3A_62 = arith.subi %div3A_40, %sub3A_61 : vector<16xi32>
      %select_n3A = arith.select %and3A, %sub3A_62, %div3A_40 : vector<16xi1>, vector<16xi32>
      %jit3A_63 = arith.constant 80 : i32
      %eq3A_64 = arith.constant 0 : i32
      %eq3A_65 = arith.cmpi eq, %jit3A_63, %eq3A_64 : i32
      %jit3A_66 = arith.constant 1 : i32
      %select_n3A_67 = arith.select %eq3A_65, %jit3A_66, %jit3A_63 : i32
      %rem3A_68 = vector.broadcast %select_n3A_67 : i32 to vector<16xi32>
      %rem3A_69 = arith.remsi %add3A_39, %rem3A_68 : vector<16xi32>
      %ne3A_70 = arith.constant 0 : i32
      %ne3A_71 = vector.broadcast %ne3A_70 : i32 to vector<16xi32>
      %ne3A_72 = arith.cmpi ne, %rem3A_69, %ne3A_71 : vector<16xi32>
      %lt3A_73 = arith.constant 0 : i32
      %lt3A_74 = vector.broadcast %lt3A_73 : i32 to vector<16xi32>
      %lt3A_75 = arith.cmpi slt, %rem3A_69, %lt3A_74 : vector<16xi32>
      %lt3A_76 = arith.constant 0 : i32
      %lt3A_77 = arith.cmpi slt, %select_n3A_67, %lt3A_76 : i32
      %ne3A_78 = vector.broadcast %lt3A_77 : i1 to vector<16xi1>
      %ne3A_79 = vector.broadcast %ne3A_78 : vector<16xi1> to vector<16xi1>
      %ne3A_80 = arith.xori %lt3A_75, %ne3A_79 : vector<16xi1>
      %and3A_81 = arith.andi %ne3A_80, %ne3A_72 : vector<16xi1>
      %add3A_82 = vector.broadcast %select_n3A_67 : i32 to vector<16xi32>
      %add3A_83 = arith.addi %rem3A_69, %add3A_82 : vector<16xi32>
      %select_n3A_84 = arith.select %and3A_81, %add3A_83, %rem3A_69 : vector<16xi1>, vector<16xi32>
      %gather3A = tpu.vector_load_idx %arg8[%select_n3A, %select_n3A_84] : memref<125x80xi32, #tpu.memory_space<vmem>>[vector<16xi32>, vector<16xi32>], vector<16xi32>,
      %gather3A_85 = tpu.vector_load_idx %arg9[%select_n3A, %select_n3A_84] : memref<125x80xi32, #tpu.memory_space<vmem>>[vector<16xi32>, vector<16xi32>], vector<16xi32>,
      %gather3A_86 = tpu.vector_load_idx %arg10[%gather3A] : memref<10000xf32, #tpu.memory_space<vmem>>[vector<16xi32>], vector<16xf32>,
      %gather3A_87 = tpu.vector_load_idx %arg11[%gather3A_85] : memref<10000xf32, #tpu.memory_space<vmem>>[vector<16xi32>], vector<16xf32>,
      %add3A_88 = arith.addf %gather3A_86, %gather3A_87 : vector<16xf32>
      %ge3A = arith.constant 0.000000e+00 : f32
      %ge3A_89 = vector.broadcast %ge3A : f32 to vector<16xf32>
      %ge3A_90 = arith.cmpf oge, %add3A_88, %ge3A_89 : vector<16xf32>
      %mul3A_91 = arith.constant 2.000000e-01 : f32
      %mul3A_92 = vector.broadcast %mul3A_91 : f32 to vector<16xf32>
      %mul3A_93 = arith.mulf %mul3A_92, %add3A_88 : vector<16xf32>
      %select_n3A_94 = arith.select %ge3A_90, %add3A_88, %mul3A_93 : vector<16xi1>, vector<16xf32>
      %exp3A = math.exp %select_n3A_94 : vector<16xf32>
      %mul3A_95 = arith.constant 16 : i32
      %mul3A_96 = arith.muli %scan3A_34, %mul3A_95 : i32
      %swap3A = arith.index_cast %mul3A_96 : i32 to index
      %swap3A_97 = tpu.vector_load %arg12[%swap3A] {strides = array<i32>} : memref<10000xf32, #tpu.memory_space<vmem>>, vector<16xf32>,
      tpu.vector_store %arg12[%swap3A], %exp3A {strides = array<i32>} : memref<10000xf32, #tpu.memory_space<vmem>>, vector<16xf32>,
      %scan3A_98 = arith.constant 0 : i32
      scf.yield %scan3A_98 : i32
    }
    %scan3A_20 = arith.constant 625 : i32
    %scan3A_21 = arith.constant 0 : i32
    %scan3A_22 = arith.constant 0 : i32
    %scan3A_23 = arith.constant 125 : i32
    %scan3A_24 = arith.addi %scan3A_22, %scan3A_23 : i32
    %scan3A_25 = arith.constant 1 : i32
    %scan3A_26 = scf.for %scan3A_34 = %scan3A_22 to %scan3A_24 step %scan3A_25 iter_args(%scan3A_35 = %scan3A_21) -> (i32)  : i32 {
      %mul3A_36 = arith.constant 80 : i32
      %mul3A_37 = arith.muli %scan3A_34, %mul3A_36 : i32
      "tpu.region"() ({
        %run_scoped3A = tpu.sem_alloc : memref<!tpu.dma_semaphore, #tpu.memory_space<semaphore_mem>>
        %dma_start3A = tpu.memref_slice %arg12[%mul3A_37] : memref<10000xf32, #tpu.memory_space<vmem>> -> memref<80xf32, #tpu.memory_space<vmem>>
        %dma_start3A_39 = arith.constant 0 : i32
        %dma_start3A_40 = tpu.memref_slice %arg9[%scan3A_34, %dma_start3A_39] : memref<125x80xi32, #tpu.memory_space<vmem>> -> memref<1x80xi32, #tpu.memory_space<vmem>>
        %dma_start3A_41 = tpu.memref_squeeze %dma_start3A_40 : memref<1x80xi32, #tpu.memory_space<vmem>> -> memref<80xi32, #tpu.memory_space<vmem>>
        %dma_start3A_42 = arith.constant 0 : i32
        %dma_start3A_43 = tpu.memref_slice %arg13[%dma_start3A_42] : memref<10000xf32, #tpu.memory_space<vmem_shared>> -> memref<10000xf32, #tpu.memory_space<vmem_shared>>
        tpu.enqueue_indirect_dma source(%dma_start3A : memref<80xf32, #tpu.memory_space<vmem>>) target(%dma_start3A_43 : memref<10000xf32, #tpu.memory_space<vmem_shared>>) offsets(%dma_start3A_41 : memref<80xi32, #tpu.memory_space<vmem>>) semaphore(%run_scoped3A : memref<!tpu.dma_semaphore, #tpu.memory_space<semaphore_mem>>) {add = true}
        %dma_wait3A = tpu.memref_slice %arg12[%mul3A_37] : memref<10000xf32, #tpu.memory_space<vmem>> -> memref<80xf32, #tpu.memory_space<vmem>>
        %dma_wait3A_44 = arith.constant 0 : i32
        %dma_wait3A_45 = tpu.memref_slice %arg9[%scan3A_34, %dma_wait3A_44] : memref<125x80xi32, #tpu.memory_space<vmem>> -> memref<1x80xi32, #tpu.memory_space<vmem>>
        %dma_wait3A_46 = tpu.memref_squeeze %dma_wait3A_45 : memref<1x80xi32, #tpu.memory_space<vmem>> -> memref<80xi32, #tpu.memory_space<vmem>>
        %dma_wait3A_47 = arith.constant 0 : i32
        %dma_wait3A_48 = tpu.memref_slice %arg13[%dma_wait3A_47] : memref<10000xf32, #tpu.memory_space<vmem_shared>> -> memref<10000xf32, #tpu.memory_space<vmem_shared>>
        tpu.wait_indirect_dma semaphore(%run_scoped3A : memref<!tpu.dma_semaphore, #tpu.memory_space<semaphore_mem>>) src(%dma_wait3A : memref<80xf32, #tpu.memory_space<vmem>>) dst(%dma_wait3A_48 : memref<10000xf32, #tpu.memory_space<vmem_shared>>)
        tpu.yield
      }) : () -> ()
      %scan3A_38 = arith.constant 0 : i32
      scf.yield %scan3A_38 : i32
    }
    %scan3A_27 = arith.constant 125 : i32
    "tpu.region"() ({
      %run_scoped3A = tpu.sem_alloc : memref<!tpu.dma_semaphore, #tpu.memory_space<semaphore_mem>>
      %dma_start3A = arith.constant 0 : i32
      %dma_start3A_34 = tpu.memref_slice %arg6[%add3A, %dma_start3A] : memref<32x10000xf32, #tpu.memory_space<hbm>> -> memref<1x10000xf32, #tpu.memory_space<hbm>>
      %dma_start3A_35 = tpu.memref_squeeze %dma_start3A_34 : memref<1x10000xf32, #tpu.memory_space<hbm>> -> memref<10000xf32, #tpu.memory_space<hbm>>
      %dma_start3A_36 = arith.constant 0 : i32
      %dma_start3A_37 = tpu.memref_slice %arg6[%add3A, %dma_start3A_36] : memref<32x10000xf32, #tpu.memory_space<hbm>> -> memref<1x10000xf32, #tpu.memory_space<hbm>>
      %dma_start3A_38 = tpu.memref_squeeze %dma_start3A_37 : memref<1x10000xf32, #tpu.memory_space<hbm>> -> memref<10000xf32, #tpu.memory_space<hbm>>
      tpu.enqueue_dma source(%arg12 : memref<10000xf32, #tpu.memory_space<vmem>>) target(%dma_start3A_38 : memref<10000xf32, #tpu.memory_space<hbm>>) target_semaphore(%run_scoped3A : memref<!tpu.dma_semaphore, #tpu.memory_space<semaphore_mem>>)
      %dma_wait3A = arith.constant 0 : i32
      %dma_wait3A_39 = tpu.memref_slice %arg6[%add3A, %dma_wait3A] : memref<32x10000xf32, #tpu.memory_space<hbm>> -> memref<1x10000xf32, #tpu.memory_space<hbm>>
      %dma_wait3A_40 = tpu.memref_squeeze %dma_wait3A_39 : memref<1x10000xf32, #tpu.memory_space<hbm>> -> memref<10000xf32, #tpu.memory_space<hbm>>
      %dma_wait3A_41 = arith.constant 0 : i32
      %dma_wait3A_42 = tpu.memref_slice %arg6[%add3A, %dma_wait3A_41] : memref<32x10000xf32, #tpu.memory_space<hbm>> -> memref<1x10000xf32, #tpu.memory_space<hbm>>
      %dma_wait3A_43 = tpu.memref_squeeze %dma_wait3A_42 : memref<1x10000xf32, #tpu.memory_space<hbm>> -> memref<10000xf32, #tpu.memory_space<hbm>>
      tpu.wait_dma2 semaphore(%run_scoped3A : memref<!tpu.dma_semaphore, #tpu.memory_space<semaphore_mem>>) src(%arg12 : memref<10000xf32, #tpu.memory_space<vmem>>) dst(%dma_wait3A_43 : memref<10000xf32, #tpu.memory_space<hbm>>)
      tpu.yield
    }) : () -> ()
    %barrier3A_28 = arith.constant 0 : index
    tpu.barrier barrier_id(%barrier3A_28)
    %eq3A_29 = arith.constant 0 : i32
    %eq3A_30 = arith.cmpi eq, %arg1, %eq3A_29 : i32
    %convert_element_type3A_31 = arith.extui %eq3A_30 : i1 to i32
    %cond3A_32 = arith.constant 0 : i32
    %cond3A_33 = arith.cmpi ne, %convert_element_type3A_31, %cond3A_32 : i32
    scf.if %cond3A_33 {
      "tpu.region"() ({
        %run_scoped3A = tpu.sem_alloc : memref<!tpu.dma_semaphore, #tpu.memory_space<semaphore_mem>>
        %dma_start3A = arith.constant 0 : i32
        %dma_start3A_34 = tpu.memref_slice %arg7[%arg0, %dma_start3A] : memref<2x10000xf32, #tpu.memory_space<hbm>> -> memref<1x10000xf32, #tpu.memory_space<hbm>>
        %dma_start3A_35 = tpu.memref_squeeze %dma_start3A_34 : memref<1x10000xf32, #tpu.memory_space<hbm>> -> memref<10000xf32, #tpu.memory_space<hbm>>
        tpu.enqueue_dma source(%arg13 : memref<10000xf32, #tpu.memory_space<vmem_shared>>) target(%dma_start3A_35 : memref<10000xf32, #tpu.memory_space<hbm>>) target_semaphore(%run_scoped3A : memref<!tpu.dma_semaphore, #tpu.memory_space<semaphore_mem>>)
        %dma_wait3A = arith.constant 0 : i32
        %dma_wait3A_36 = tpu.memref_slice %arg7[%arg0, %dma_wait3A] : memref<2x10000xf32, #tpu.memory_space<hbm>> -> memref<1x10000xf32, #tpu.memory_space<hbm>>
        %dma_wait3A_37 = tpu.memref_squeeze %dma_wait3A_36 : memref<1x10000xf32, #tpu.memory_space<hbm>> -> memref<10000xf32, #tpu.memory_space<hbm>>
        tpu.wait_dma2 semaphore(%run_scoped3A : memref<!tpu.dma_semaphore, #tpu.memory_space<semaphore_mem>>) src(%arg13 : memref<10000xf32, #tpu.memory_space<vmem_shared>>) dst(%dma_wait3A_37 : memref<10000xf32, #tpu.memory_space<hbm>>)
        tpu.yield
      }) : () -> ()
    } else {
    }
    return
  }
}

#map = affine_map<(d0, d1) -> (0, 0)>
#map1 = affine_map<(d0, d1) -> (0, 0, 0)>
module attributes {stable_mosaic.version = 14 : i64} {
  func.func @_sc_agg_body(%arg0: i32, %arg1: i32, %arg2: memref<10000x128xf32, #tpu.memory_space<hbm>>, %arg3: memref<32x125x80xi32, #tpu.memory_space<hbm>>, %arg4: memref<32x125x80xi32, #tpu.memory_space<hbm>>, %arg5: memref<32x10000xf32, #tpu.memory_space<hbm>>, %arg6: memref<2x10000x128xf32, #tpu.memory_space<hbm>>, %arg7: memref<125x80xi32, #tpu.memory_space<vmem>>, %arg8: memref<125x80xi32, #tpu.memory_space<vmem>>, %arg9: memref<10000xf32, #tpu.memory_space<vmem>>, %arg10: memref<80x128xf32, #tpu.memory_space<vmem>>, %arg11: memref<80x128xf32, #tpu.memory_space<vmem>>, %arg12: memref<10000x128xf32, #tpu.memory_space<vmem_shared>>, %arg13: memref<!tpu.dma_semaphore, #tpu.memory_space<semaphore_mem>>, %arg14: memref<!tpu.dma_semaphore, #tpu.memory_space<semaphore_mem>>) attributes {dimension_semantics = [#tpu.dimension_semantics<core_parallel>, #tpu.dimension_semantics<subcore_parallel>], iteration_bounds = array<i64: 2, 16>, scalar_prefetch = 0 : i64, scratch_operands = 8 : i64, tpu.core_type = #tpu.core_type<sc_vector_subcore>, window_params = [{transform_indices = #map}, {transform_indices = #map1}, {transform_indices = #map1}, {transform_indices = #map}, {transform_indices = #map1}]} {
    %mul3A = arith.constant 2 : i32
    %mul3A_0 = arith.muli %arg1, %mul3A : i32
    %add3A = arith.addi %mul3A_0, %arg0 : i32
    %broadcast_in_dim3A = arith.constant 0.000000e+00 : f32
    %broadcast_in_dim3A_1 = vector.broadcast %broadcast_in_dim3A : f32 to vector<16xf32>
    %mul3A_2 = arith.constant 640 : i32
    %mul3A_3 = arith.muli %arg1, %mul3A_2 : i32
    %scan3A = arith.constant 0 : i32
    %scan3A_4 = arith.constant 0 : i32
    %scan3A_5 = arith.constant 640 : i32
    %scan3A_6 = arith.addi %scan3A_4, %scan3A_5 : i32
    %scan3A_7 = arith.constant 1 : i32
    %scan3A_8 = scf.for %scan3A_57 = %scan3A_4 to %scan3A_6 step %scan3A_7 iter_args(%scan3A_58 = %scan3A) -> (i32)  : i32 {
      %jit3A = arith.constant 8 : i32
      %div3A = arith.divsi %scan3A_57, %jit3A : i32
      %sign3A = arith.constant 0 : i32
      %sign3A_59 = arith.cmpi sgt, %scan3A_57, %sign3A : i32
      %sign3A_60 = arith.extui %sign3A_59 : i1 to i32
      %sign3A_61 = arith.constant 0 : i32
      %sign3A_62 = arith.cmpi slt, %scan3A_57, %sign3A_61 : i32
      %sign3A_63 = arith.extui %sign3A_62 : i1 to i32
      %sign3A_64 = arith.subi %sign3A_60, %sign3A_63 : i32
      %sign3A_65 = arith.constant 0 : i32
      %sign3A_66 = arith.cmpi sgt, %jit3A, %sign3A_65 : i32
      %sign3A_67 = arith.extui %sign3A_66 : i1 to i32
      %sign3A_68 = arith.constant 0 : i32
      %sign3A_69 = arith.cmpi slt, %jit3A, %sign3A_68 : i32
      %sign3A_70 = arith.extui %sign3A_69 : i1 to i32
      %sign3A_71 = arith.subi %sign3A_67, %sign3A_70 : i32
      %ne3A = arith.cmpi ne, %sign3A_64, %sign3A_71 : i32
      %rem3A = arith.remsi %scan3A_57, %jit3A : i32
      %ne3A_72 = arith.constant 0 : i32
      %ne3A_73 = arith.cmpi ne, %rem3A, %ne3A_72 : i32
      %and3A = arith.andi %ne3A, %ne3A_73 : i1
      %sub3A = arith.constant 1 : i32
      %sub3A_74 = arith.subi %div3A, %sub3A : i32
      %select_n3A = arith.select %and3A, %sub3A_74, %div3A : i32
      %jit3A_75 = arith.constant 8 : i32
      %eq3A_76 = arith.constant 0 : i32
      %eq3A_77 = arith.cmpi eq, %jit3A_75, %eq3A_76 : i32
      %jit3A_78 = arith.constant 1 : i32
      %select_n3A_79 = arith.select %eq3A_77, %jit3A_78, %jit3A_75 : i32
      %rem3A_80 = arith.remsi %scan3A_57, %select_n3A_79 : i32
      %ne3A_81 = arith.constant 0 : i32
      %ne3A_82 = arith.cmpi ne, %rem3A_80, %ne3A_81 : i32
      %lt3A_83 = arith.constant 0 : i32
      %lt3A_84 = arith.cmpi slt, %rem3A_80, %lt3A_83 : i32
      %lt3A_85 = arith.constant 0 : i32
      %lt3A_86 = arith.cmpi slt, %select_n3A_79, %lt3A_85 : i32
      %ne3A_87 = arith.xori %lt3A_84, %lt3A_86 : i1
      %and3A_88 = arith.andi %ne3A_87, %ne3A_82 : i1
      %add3A_89 = arith.addi %rem3A_80, %select_n3A_79 : i32
      %select_n3A_90 = arith.select %and3A_88, %add3A_89, %rem3A_80 : i32
      %mul3A_91 = arith.constant 16 : i32
      %mul3A_92 = arith.muli %select_n3A_90, %mul3A_91 : i32
      %swap3A = arith.index_cast %select_n3A : i32 to index
      %swap3A_93 = arith.index_cast %mul3A_92 : i32 to index
      %swap3A_94 = tpu.vector_load %arg10[%swap3A, %swap3A_93] {strides = array<i32>} : memref<80x128xf32, #tpu.memory_space<vmem>>, vector<16xf32>,
      tpu.vector_store %arg10[%swap3A, %swap3A_93], %broadcast_in_dim3A_1 {strides = array<i32>} : memref<80x128xf32, #tpu.memory_space<vmem>>, vector<16xf32>,
      %scan3A_95 = arith.constant 0 : i32
      scf.yield %scan3A_95 : i32
    }
    %scan3A_9 = arith.constant 640 : i32
    %add3A_10 = arith.constant 0 : i32
    %add3A_11 = arith.addi %mul3A_3, %add3A_10 : i32
    "tpu.region"() ({
      %run_scoped3A_57 = tpu.sem_alloc : memref<!tpu.dma_semaphore, #tpu.memory_space<semaphore_mem>>
      %dma_start3A_58 = arith.constant 0 : i32
      %dma_start3A_59 = tpu.memref_slice %arg12[%add3A_11, %dma_start3A_58] : memref<10000x128xf32, #tpu.memory_space<vmem_shared>> -> memref<80x128xf32, #tpu.memory_space<vmem_shared>>
      %dma_start3A_60 = arith.constant 0 : i32
      %dma_start3A_61 = tpu.memref_slice %arg12[%add3A_11, %dma_start3A_60] : memref<10000x128xf32, #tpu.memory_space<vmem_shared>> -> memref<80x128xf32, #tpu.memory_space<vmem_shared>>
      tpu.enqueue_dma source(%arg10 : memref<80x128xf32, #tpu.memory_space<vmem>>) target(%dma_start3A_61 : memref<80x128xf32, #tpu.memory_space<vmem_shared>>) target_semaphore(%run_scoped3A_57 : memref<!tpu.dma_semaphore, #tpu.memory_space<semaphore_mem>>)
      %dma_wait3A_62 = arith.constant 0 : i32
      %dma_wait3A_63 = tpu.memref_slice %arg12[%add3A_11, %dma_wait3A_62] : memref<10000x128xf32, #tpu.memory_space<vmem_shared>> -> memref<80x128xf32, #tpu.memory_space<vmem_shared>>
      %dma_wait3A_64 = arith.constant 0 : i32
      %dma_wait3A_65 = tpu.memref_slice %arg12[%add3A_11, %dma_wait3A_64] : memref<10000x128xf32, #tpu.memory_space<vmem_shared>> -> memref<80x128xf32, #tpu.memory_space<vmem_shared>>
      tpu.wait_dma2 semaphore(%run_scoped3A_57 : memref<!tpu.dma_semaphore, #tpu.memory_space<semaphore_mem>>) src(%arg10 : memref<80x128xf32, #tpu.memory_space<vmem>>) dst(%dma_wait3A_65 : memref<80x128xf32, #tpu.memory_space<vmem_shared>>)
      tpu.yield
    }) : () -> ()
    %add3A_12 = arith.constant 80 : i32
    %add3A_13 = arith.addi %mul3A_3, %add3A_12 : i32
    "tpu.region"() ({
      %run_scoped3A_57 = tpu.sem_alloc : memref<!tpu.dma_semaphore, #tpu.memory_space<semaphore_mem>>
      %dma_start3A_58 = arith.constant 0 : i32
      %dma_start3A_59 = tpu.memref_slice %arg12[%add3A_13, %dma_start3A_58] : memref<10000x128xf32, #tpu.memory_space<vmem_shared>> -> memref<80x128xf32, #tpu.memory_space<vmem_shared>>
      %dma_start3A_60 = arith.constant 0 : i32
      %dma_start3A_61 = tpu.memref_slice %arg12[%add3A_13, %dma_start3A_60] : memref<10000x128xf32, #tpu.memory_space<vmem_shared>> -> memref<80x128xf32, #tpu.memory_space<vmem_shared>>
      tpu.enqueue_dma source(%arg10 : memref<80x128xf32, #tpu.memory_space<vmem>>) target(%dma_start3A_61 : memref<80x128xf32, #tpu.memory_space<vmem_shared>>) target_semaphore(%run_scoped3A_57 : memref<!tpu.dma_semaphore, #tpu.memory_space<semaphore_mem>>)
      %dma_wait3A_62 = arith.constant 0 : i32
      %dma_wait3A_63 = tpu.memref_slice %arg12[%add3A_13, %dma_wait3A_62] : memref<10000x128xf32, #tpu.memory_space<vmem_shared>> -> memref<80x128xf32, #tpu.memory_space<vmem_shared>>
      %dma_wait3A_64 = arith.constant 0 : i32
      %dma_wait3A_65 = tpu.memref_slice %arg12[%add3A_13, %dma_wait3A_64] : memref<10000x128xf32, #tpu.memory_space<vmem_shared>> -> memref<80x128xf32, #tpu.memory_space<vmem_shared>>
      tpu.wait_dma2 semaphore(%run_scoped3A_57 : memref<!tpu.dma_semaphore, #tpu.memory_space<semaphore_mem>>) src(%arg10 : memref<80x128xf32, #tpu.memory_space<vmem>>) dst(%dma_wait3A_65 : memref<80x128xf32, #tpu.memory_space<vmem_shared>>)
      tpu.yield
    }) : () -> ()
    %add3A_14 = arith.constant 160 : i32
    %add3A_15 = arith.addi %mul3A_3, %add3A_14 : i32
    "tpu.region"() ({
      %run_scoped3A_57 = tpu.sem_alloc : memref<!tpu.dma_semaphore, #tpu.memory_space<semaphore_mem>>
      %dma_start3A_58 = arith.constant 0 : i32
      %dma_start3A_59 = tpu.memref_slice %arg12[%add3A_15, %dma_start3A_58] : memref<10000x128xf32, #tpu.memory_space<vmem_shared>> -> memref<80x128xf32, #tpu.memory_space<vmem_shared>>
      %dma_start3A_60 = arith.constant 0 : i32
      %dma_start3A_61 = tpu.memref_slice %arg12[%add3A_15, %dma_start3A_60] : memref<10000x128xf32, #tpu.memory_space<vmem_shared>> -> memref<80x128xf32, #tpu.memory_space<vmem_shared>>
      tpu.enqueue_dma source(%arg10 : memref<80x128xf32, #tpu.memory_space<vmem>>) target(%dma_start3A_61 : memref<80x128xf32, #tpu.memory_space<vmem_shared>>) target_semaphore(%run_scoped3A_57 : memref<!tpu.dma_semaphore, #tpu.memory_space<semaphore_mem>>)
      %dma_wait3A_62 = arith.constant 0 : i32
      %dma_wait3A_63 = tpu.memref_slice %arg12[%add3A_15, %dma_wait3A_62] : memref<10000x128xf32, #tpu.memory_space<vmem_shared>> -> memref<80x128xf32, #tpu.memory_space<vmem_shared>>
      %dma_wait3A_64 = arith.constant 0 : i32
      %dma_wait3A_65 = tpu.memref_slice %arg12[%add3A_15, %dma_wait3A_64] : memref<10000x128xf32, #tpu.memory_space<vmem_shared>> -> memref<80x128xf32, #tpu.memory_space<vmem_shared>>
      tpu.wait_dma2 semaphore(%run_scoped3A_57 : memref<!tpu.dma_semaphore, #tpu.memory_space<semaphore_mem>>) src(%arg10 : memref<80x128xf32, #tpu.memory_space<vmem>>) dst(%dma_wait3A_65 : memref<80x128xf32, #tpu.memory_space<vmem_shared>>)
      tpu.yield
    }) : () -> ()
    %add3A_16 = arith.constant 240 : i32
    %add3A_17 = arith.addi %mul3A_3, %add3A_16 : i32
    "tpu.region"() ({
      %run_scoped3A_57 = tpu.sem_alloc : memref<!tpu.dma_semaphore, #tpu.memory_space<semaphore_mem>>
      %dma_start3A_58 = arith.constant 0 : i32
      %dma_start3A_59 = tpu.memref_slice %arg12[%add3A_17, %dma_start3A_58] : memref<10000x128xf32, #tpu.memory_space<vmem_shared>> -> memref<80x128xf32, #tpu.memory_space<vmem_shared>>
      %dma_start3A_60 = arith.constant 0 : i32
      %dma_start3A_61 = tpu.memref_slice %arg12[%add3A_17, %dma_start3A_60] : memref<10000x128xf32, #tpu.memory_space<vmem_shared>> -> memref<80x128xf32, #tpu.memory_space<vmem_shared>>
      tpu.enqueue_dma source(%arg10 : memref<80x128xf32, #tpu.memory_space<vmem>>) target(%dma_start3A_61 : memref<80x128xf32, #tpu.memory_space<vmem_shared>>) target_semaphore(%run_scoped3A_57 : memref<!tpu.dma_semaphore, #tpu.memory_space<semaphore_mem>>)
      %dma_wait3A_62 = arith.constant 0 : i32
      %dma_wait3A_63 = tpu.memref_slice %arg12[%add3A_17, %dma_wait3A_62] : memref<10000x128xf32, #tpu.memory_space<vmem_shared>> -> memref<80x128xf32, #tpu.memory_space<vmem_shared>>
      %dma_wait3A_64 = arith.constant 0 : i32
      %dma_wait3A_65 = tpu.memref_slice %arg12[%add3A_17, %dma_wait3A_64] : memref<10000x128xf32, #tpu.memory_space<vmem_shared>> -> memref<80x128xf32, #tpu.memory_space<vmem_shared>>
      tpu.wait_dma2 semaphore(%run_scoped3A_57 : memref<!tpu.dma_semaphore, #tpu.memory_space<semaphore_mem>>) src(%arg10 : memref<80x128xf32, #tpu.memory_space<vmem>>) dst(%dma_wait3A_65 : memref<80x128xf32, #tpu.memory_space<vmem_shared>>)
      tpu.yield
    }) : () -> ()
    %add3A_18 = arith.constant 320 : i32
    %add3A_19 = arith.addi %mul3A_3, %add3A_18 : i32
    "tpu.region"() ({
      %run_scoped3A_57 = tpu.sem_alloc : memref<!tpu.dma_semaphore, #tpu.memory_space<semaphore_mem>>
      %dma_start3A_58 = arith.constant 0 : i32
      %dma_start3A_59 = tpu.memref_slice %arg12[%add3A_19, %dma_start3A_58] : memref<10000x128xf32, #tpu.memory_space<vmem_shared>> -> memref<80x128xf32, #tpu.memory_space<vmem_shared>>
      %dma_start3A_60 = arith.constant 0 : i32
      %dma_start3A_61 = tpu.memref_slice %arg12[%add3A_19, %dma_start3A_60] : memref<10000x128xf32, #tpu.memory_space<vmem_shared>> -> memref<80x128xf32, #tpu.memory_space<vmem_shared>>
      tpu.enqueue_dma source(%arg10 : memref<80x128xf32, #tpu.memory_space<vmem>>) target(%dma_start3A_61 : memref<80x128xf32, #tpu.memory_space<vmem_shared>>) target_semaphore(%run_scoped3A_57 : memref<!tpu.dma_semaphore, #tpu.memory_space<semaphore_mem>>)
      %dma_wait3A_62 = arith.constant 0 : i32
      %dma_wait3A_63 = tpu.memref_slice %arg12[%add3A_19, %dma_wait3A_62] : memref<10000x128xf32, #tpu.memory_space<vmem_shared>> -> memref<80x128xf32, #tpu.memory_space<vmem_shared>>
      %dma_wait3A_64 = arith.constant 0 : i32
      %dma_wait3A_65 = tpu.memref_slice %arg12[%add3A_19, %dma_wait3A_64] : memref<10000x128xf32, #tpu.memory_space<vmem_shared>> -> memref<80x128xf32, #tpu.memory_space<vmem_shared>>
      tpu.wait_dma2 semaphore(%run_scoped3A_57 : memref<!tpu.dma_semaphore, #tpu.memory_space<semaphore_mem>>) src(%arg10 : memref<80x128xf32, #tpu.memory_space<vmem>>) dst(%dma_wait3A_65 : memref<80x128xf32, #tpu.memory_space<vmem_shared>>)
      tpu.yield
    }) : () -> ()
    %lt3A = arith.constant 15 : i32
    %lt3A_20 = arith.cmpi slt, %arg1, %lt3A : i32
    %convert_element_type3A = arith.extui %lt3A_20 : i1 to i32
    %cond3A = arith.constant 0 : i32
    %cond3A_21 = arith.cmpi ne, %convert_element_type3A, %cond3A : i32
    scf.if %cond3A_21 {
      %add3A_57 = arith.constant 400 : i32
      %add3A_58 = arith.addi %mul3A_3, %add3A_57 : i32
      "tpu.region"() ({
        %run_scoped3A_63 = tpu.sem_alloc : memref<!tpu.dma_semaphore, #tpu.memory_space<semaphore_mem>>
        %dma_start3A_64 = arith.constant 0 : i32
        %dma_start3A_65 = tpu.memref_slice %arg12[%add3A_58, %dma_start3A_64] : memref<10000x128xf32, #tpu.memory_space<vmem_shared>> -> memref<80x128xf32, #tpu.memory_space<vmem_shared>>
        %dma_start3A_66 = arith.constant 0 : i32
        %dma_start3A_67 = tpu.memref_slice %arg12[%add3A_58, %dma_start3A_66] : memref<10000x128xf32, #tpu.memory_space<vmem_shared>> -> memref<80x128xf32, #tpu.memory_space<vmem_shared>>
        tpu.enqueue_dma source(%arg10 : memref<80x128xf32, #tpu.memory_space<vmem>>) target(%dma_start3A_67 : memref<80x128xf32, #tpu.memory_space<vmem_shared>>) target_semaphore(%run_scoped3A_63 : memref<!tpu.dma_semaphore, #tpu.memory_space<semaphore_mem>>)
        %dma_wait3A_68 = arith.constant 0 : i32
        %dma_wait3A_69 = tpu.memref_slice %arg12[%add3A_58, %dma_wait3A_68] : memref<10000x128xf32, #tpu.memory_space<vmem_shared>> -> memref<80x128xf32, #tpu.memory_space<vmem_shared>>
        %dma_wait3A_70 = arith.constant 0 : i32
        %dma_wait3A_71 = tpu.memref_slice %arg12[%add3A_58, %dma_wait3A_70] : memref<10000x128xf32, #tpu.memory_space<vmem_shared>> -> memref<80x128xf32, #tpu.memory_space<vmem_shared>>
        tpu.wait_dma2 semaphore(%run_scoped3A_63 : memref<!tpu.dma_semaphore, #tpu.memory_space<semaphore_mem>>) src(%arg10 : memref<80x128xf32, #tpu.memory_space<vmem>>) dst(%dma_wait3A_71 : memref<80x128xf32, #tpu.memory_space<vmem_shared>>)
        tpu.yield
      }) : () -> ()
      %add3A_59 = arith.constant 480 : i32
      %add3A_60 = arith.addi %mul3A_3, %add3A_59 : i32
      "tpu.region"() ({
        %run_scoped3A_63 = tpu.sem_alloc : memref<!tpu.dma_semaphore, #tpu.memory_space<semaphore_mem>>
        %dma_start3A_64 = arith.constant 0 : i32
        %dma_start3A_65 = tpu.memref_slice %arg12[%add3A_60, %dma_start3A_64] : memref<10000x128xf32, #tpu.memory_space<vmem_shared>> -> memref<80x128xf32, #tpu.memory_space<vmem_shared>>
        %dma_start3A_66 = arith.constant 0 : i32
        %dma_start3A_67 = tpu.memref_slice %arg12[%add3A_60, %dma_start3A_66] : memref<10000x128xf32, #tpu.memory_space<vmem_shared>> -> memref<80x128xf32, #tpu.memory_space<vmem_shared>>
        tpu.enqueue_dma source(%arg10 : memref<80x128xf32, #tpu.memory_space<vmem>>) target(%dma_start3A_67 : memref<80x128xf32, #tpu.memory_space<vmem_shared>>) target_semaphore(%run_scoped3A_63 : memref<!tpu.dma_semaphore, #tpu.memory_space<semaphore_mem>>)
        %dma_wait3A_68 = arith.constant 0 : i32
        %dma_wait3A_69 = tpu.memref_slice %arg12[%add3A_60, %dma_wait3A_68] : memref<10000x128xf32, #tpu.memory_space<vmem_shared>> -> memref<80x128xf32, #tpu.memory_space<vmem_shared>>
        %dma_wait3A_70 = arith.constant 0 : i32
        %dma_wait3A_71 = tpu.memref_slice %arg12[%add3A_60, %dma_wait3A_70] : memref<10000x128xf32, #tpu.memory_space<vmem_shared>> -> memref<80x128xf32, #tpu.memory_space<vmem_shared>>
        tpu.wait_dma2 semaphore(%run_scoped3A_63 : memref<!tpu.dma_semaphore, #tpu.memory_space<semaphore_mem>>) src(%arg10 : memref<80x128xf32, #tpu.memory_space<vmem>>) dst(%dma_wait3A_71 : memref<80x128xf32, #tpu.memory_space<vmem_shared>>)
        tpu.yield
      }) : () -> ()
      %add3A_61 = arith.constant 560 : i32
      %add3A_62 = arith.addi %mul3A_3, %add3A_61 : i32
      "tpu.region"() ({
        %run_scoped3A_63 = tpu.sem_alloc : memref<!tpu.dma_semaphore, #tpu.memory_space<semaphore_mem>>
        %dma_start3A_64 = arith.constant 0 : i32
        %dma_start3A_65 = tpu.memref_slice %arg12[%add3A_62, %dma_start3A_64] : memref<10000x128xf32, #tpu.memory_space<vmem_shared>> -> memref<80x128xf32, #tpu.memory_space<vmem_shared>>
        %dma_start3A_66 = arith.constant 0 : i32
        %dma_start3A_67 = tpu.memref_slice %arg12[%add3A_62, %dma_start3A_66] : memref<10000x128xf32, #tpu.memory_space<vmem_shared>> -> memref<80x128xf32, #tpu.memory_space<vmem_shared>>
        tpu.enqueue_dma source(%arg10 : memref<80x128xf32, #tpu.memory_space<vmem>>) target(%dma_start3A_67 : memref<80x128xf32, #tpu.memory_space<vmem_shared>>) target_semaphore(%run_scoped3A_63 : memref<!tpu.dma_semaphore, #tpu.memory_space<semaphore_mem>>)
        %dma_wait3A_68 = arith.constant 0 : i32
        %dma_wait3A_69 = tpu.memref_slice %arg12[%add3A_62, %dma_wait3A_68] : memref<10000x128xf32, #tpu.memory_space<vmem_shared>> -> memref<80x128xf32, #tpu.memory_space<vmem_shared>>
        %dma_wait3A_70 = arith.constant 0 : i32
        %dma_wait3A_71 = tpu.memref_slice %arg12[%add3A_62, %dma_wait3A_70] : memref<10000x128xf32, #tpu.memory_space<vmem_shared>> -> memref<80x128xf32, #tpu.memory_space<vmem_shared>>
        tpu.wait_dma2 semaphore(%run_scoped3A_63 : memref<!tpu.dma_semaphore, #tpu.memory_space<semaphore_mem>>) src(%arg10 : memref<80x128xf32, #tpu.memory_space<vmem>>) dst(%dma_wait3A_71 : memref<80x128xf32, #tpu.memory_space<vmem_shared>>)
        tpu.yield
      }) : () -> ()
    } else {
    }
    "tpu.region"() ({
      %run_scoped3A_57 = tpu.sem_alloc : memref<!tpu.dma_semaphore, #tpu.memory_space<semaphore_mem>>
      %dma_start3A_58 = arith.constant 0 : i32
      %dma_start3A_59 = arith.constant 0 : i32
      %dma_start3A_60 = tpu.memref_slice %arg3[%add3A, %dma_start3A_58, %dma_start3A_59] : memref<32x125x80xi32, #tpu.memory_space<hbm>> -> memref<1x125x80xi32, #tpu.memory_space<hbm>>
      %dma_start3A_61 = tpu.memref_squeeze %dma_start3A_60 : memref<1x125x80xi32, #tpu.memory_space<hbm>> -> memref<125x80xi32, #tpu.memory_space<hbm>>
      %dma_start3A_62 = arith.constant 0 : i32
      %dma_start3A_63 = arith.constant 0 : i32
      %dma_start3A_64 = tpu.memref_slice %arg3[%add3A, %dma_start3A_62, %dma_start3A_63] : memref<32x125x80xi32, #tpu.memory_space<hbm>> -> memref<1x125x80xi32, #tpu.memory_space<hbm>>
      %dma_start3A_65 = tpu.memref_squeeze %dma_start3A_64 : memref<1x125x80xi32, #tpu.memory_space<hbm>> -> memref<125x80xi32, #tpu.memory_space<hbm>>
      tpu.enqueue_dma source(%dma_start3A_65 : memref<125x80xi32, #tpu.memory_space<hbm>>) target(%arg7 : memref<125x80xi32, #tpu.memory_space<vmem>>) target_semaphore(%run_scoped3A_57 : memref<!tpu.dma_semaphore, #tpu.memory_space<semaphore_mem>>)
      %dma_wait3A_66 = arith.constant 0 : i32
      %dma_wait3A_67 = arith.constant 0 : i32
      %dma_wait3A_68 = tpu.memref_slice %arg3[%add3A, %dma_wait3A_66, %dma_wait3A_67] : memref<32x125x80xi32, #tpu.memory_space<hbm>> -> memref<1x125x80xi32, #tpu.memory_space<hbm>>
      %dma_wait3A_69 = tpu.memref_squeeze %dma_wait3A_68 : memref<1x125x80xi32, #tpu.memory_space<hbm>> -> memref<125x80xi32, #tpu.memory_space<hbm>>
      %dma_wait3A_70 = arith.constant 0 : i32
      %dma_wait3A_71 = arith.constant 0 : i32
      %dma_wait3A_72 = tpu.memref_slice %arg3[%add3A, %dma_wait3A_70, %dma_wait3A_71] : memref<32x125x80xi32, #tpu.memory_space<hbm>> -> memref<1x125x80xi32, #tpu.memory_space<hbm>>
      %dma_wait3A_73 = tpu.memref_squeeze %dma_wait3A_72 : memref<1x125x80xi32, #tpu.memory_space<hbm>> -> memref<125x80xi32, #tpu.memory_space<hbm>>
      tpu.wait_dma2 semaphore(%run_scoped3A_57 : memref<!tpu.dma_semaphore, #tpu.memory_space<semaphore_mem>>) src(%dma_wait3A_73 : memref<125x80xi32, #tpu.memory_space<hbm>>) dst(%arg7 : memref<125x80xi32, #tpu.memory_space<vmem>>)
      tpu.yield
    }) : () -> ()
    "tpu.region"() ({
      %run_scoped3A_57 = tpu.sem_alloc : memref<!tpu.dma_semaphore, #tpu.memory_space<semaphore_mem>>
      %dma_start3A_58 = arith.constant 0 : i32
      %dma_start3A_59 = arith.constant 0 : i32
      %dma_start3A_60 = tpu.memref_slice %arg4[%add3A, %dma_start3A_58, %dma_start3A_59] : memref<32x125x80xi32, #tpu.memory_space<hbm>> -> memref<1x125x80xi32, #tpu.memory_space<hbm>>
      %dma_start3A_61 = tpu.memref_squeeze %dma_start3A_60 : memref<1x125x80xi32, #tpu.memory_space<hbm>> -> memref<125x80xi32, #tpu.memory_space<hbm>>
      %dma_start3A_62 = arith.constant 0 : i32
      %dma_start3A_63 = arith.constant 0 : i32
      %dma_start3A_64 = tpu.memref_slice %arg4[%add3A, %dma_start3A_62, %dma_start3A_63] : memref<32x125x80xi32, #tpu.memory_space<hbm>> -> memref<1x125x80xi32, #tpu.memory_space<hbm>>
      %dma_start3A_65 = tpu.memref_squeeze %dma_start3A_64 : memref<1x125x80xi32, #tpu.memory_space<hbm>> -> memref<125x80xi32, #tpu.memory_space<hbm>>
      tpu.enqueue_dma source(%dma_start3A_65 : memref<125x80xi32, #tpu.memory_space<hbm>>) target(%arg8 : memref<125x80xi32, #tpu.memory_space<vmem>>) target_semaphore(%run_scoped3A_57 : memref<!tpu.dma_semaphore, #tpu.memory_space<semaphore_mem>>)
      %dma_wait3A_66 = arith.constant 0 : i32
      %dma_wait3A_67 = arith.constant 0 : i32
      %dma_wait3A_68 = tpu.memref_slice %arg4[%add3A, %dma_wait3A_66, %dma_wait3A_67] : memref<32x125x80xi32, #tpu.memory_space<hbm>> -> memref<1x125x80xi32, #tpu.memory_space<hbm>>
      %dma_wait3A_69 = tpu.memref_squeeze %dma_wait3A_68 : memref<1x125x80xi32, #tpu.memory_space<hbm>> -> memref<125x80xi32, #tpu.memory_space<hbm>>
      %dma_wait3A_70 = arith.constant 0 : i32
      %dma_wait3A_71 = arith.constant 0 : i32
      %dma_wait3A_72 = tpu.memref_slice %arg4[%add3A, %dma_wait3A_70, %dma_wait3A_71] : memref<32x125x80xi32, #tpu.memory_space<hbm>> -> memref<1x125x80xi32, #tpu.memory_space<hbm>>
      %dma_wait3A_73 = tpu.memref_squeeze %dma_wait3A_72 : memref<1x125x80xi32, #tpu.memory_space<hbm>> -> memref<125x80xi32, #tpu.memory_space<hbm>>
      tpu.wait_dma2 semaphore(%run_scoped3A_57 : memref<!tpu.dma_semaphore, #tpu.memory_space<semaphore_mem>>) src(%dma_wait3A_73 : memref<125x80xi32, #tpu.memory_space<hbm>>) dst(%arg8 : memref<125x80xi32, #tpu.memory_space<vmem>>)
      tpu.yield
    }) : () -> ()
    "tpu.region"() ({
      %run_scoped3A_57 = tpu.sem_alloc : memref<!tpu.dma_semaphore, #tpu.memory_space<semaphore_mem>>
      %dma_start3A_58 = arith.constant 0 : i32
      %dma_start3A_59 = tpu.memref_slice %arg5[%add3A, %dma_start3A_58] : memref<32x10000xf32, #tpu.memory_space<hbm>> -> memref<1x10000xf32, #tpu.memory_space<hbm>>
      %dma_start3A_60 = tpu.memref_squeeze %dma_start3A_59 : memref<1x10000xf32, #tpu.memory_space<hbm>> -> memref<10000xf32, #tpu.memory_space<hbm>>
      %dma_start3A_61 = arith.constant 0 : i32
      %dma_start3A_62 = tpu.memref_slice %arg5[%add3A, %dma_start3A_61] : memref<32x10000xf32, #tpu.memory_space<hbm>> -> memref<1x10000xf32, #tpu.memory_space<hbm>>
      %dma_start3A_63 = tpu.memref_squeeze %dma_start3A_62 : memref<1x10000xf32, #tpu.memory_space<hbm>> -> memref<10000xf32, #tpu.memory_space<hbm>>
      tpu.enqueue_dma source(%dma_start3A_63 : memref<10000xf32, #tpu.memory_space<hbm>>) target(%arg9 : memref<10000xf32, #tpu.memory_space<vmem>>) target_semaphore(%run_scoped3A_57 : memref<!tpu.dma_semaphore, #tpu.memory_space<semaphore_mem>>)
      %dma_wait3A_64 = arith.constant 0 : i32
      %dma_wait3A_65 = tpu.memref_slice %arg5[%add3A, %dma_wait3A_64] : memref<32x10000xf32, #tpu.memory_space<hbm>> -> memref<1x10000xf32, #tpu.memory_space<hbm>>
      %dma_wait3A_66 = tpu.memref_squeeze %dma_wait3A_65 : memref<1x10000xf32, #tpu.memory_space<hbm>> -> memref<10000xf32, #tpu.memory_space<hbm>>
      %dma_wait3A_67 = arith.constant 0 : i32
      %dma_wait3A_68 = tpu.memref_slice %arg5[%add3A, %dma_wait3A_67] : memref<32x10000xf32, #tpu.memory_space<hbm>> -> memref<1x10000xf32, #tpu.memory_space<hbm>>
      %dma_wait3A_69 = tpu.memref_squeeze %dma_wait3A_68 : memref<1x10000xf32, #tpu.memory_space<hbm>> -> memref<10000xf32, #tpu.memory_space<hbm>>
      tpu.wait_dma2 semaphore(%run_scoped3A_57 : memref<!tpu.dma_semaphore, #tpu.memory_space<semaphore_mem>>) src(%dma_wait3A_69 : memref<10000xf32, #tpu.memory_space<hbm>>) dst(%arg9 : memref<10000xf32, #tpu.memory_space<vmem>>)
      tpu.yield
    }) : () -> ()
    %barrier3A = arith.constant 0 : index
    tpu.barrier barrier_id(%barrier3A)
    %dma_start3A = arith.constant 0 : i32
    %dma_start3A_22 = arith.constant 0 : i32
    %dma_start3A_23 = tpu.memref_slice %arg7[%dma_start3A, %dma_start3A_22] : memref<125x80xi32, #tpu.memory_space<vmem>> -> memref<1x80xi32, #tpu.memory_space<vmem>>
    %dma_start3A_24 = tpu.memref_squeeze %dma_start3A_23 : memref<1x80xi32, #tpu.memory_space<vmem>> -> memref<80xi32, #tpu.memory_space<vmem>>
    %dma_start3A_25 = arith.constant 0 : i32
    %dma_start3A_26 = arith.constant 0 : i32
    %dma_start3A_27 = tpu.memref_slice %arg2[%dma_start3A_25, %dma_start3A_26] : memref<10000x128xf32, #tpu.memory_space<hbm>> -> memref<10000x128xf32, #tpu.memory_space<hbm>>
    tpu.enqueue_indirect_dma source(%dma_start3A_27 : memref<10000x128xf32, #tpu.memory_space<hbm>>) target(%arg10 : memref<80x128xf32, #tpu.memory_space<vmem>>) offsets(%dma_start3A_24 : memref<80xi32, #tpu.memory_space<vmem>>) semaphore(%arg13 : memref<!tpu.dma_semaphore, #tpu.memory_space<semaphore_mem>>)
    %scan3A_28 = arith.constant 0 : i32
    %scan3A_29 = arith.constant 0 : i32
    %scan3A_30 = arith.constant 62 : i32
    %scan3A_31 = arith.addi %scan3A_29, %scan3A_30 : i32
    %scan3A_32 = arith.constant 1 : i32
    %scan3A_33 = scf.for %scan3A_57 = %scan3A_29 to %scan3A_31 step %scan3A_32 iter_args(%scan3A_58 = %scan3A_28) -> (i32)  : i32 {
      %mul3A_59 = arith.constant 2 : i32
      %mul3A_60 = arith.muli %mul3A_59, %scan3A_57 : i32
      %add3A_61 = arith.constant 1 : i32
      %add3A_62 = arith.addi %mul3A_60, %add3A_61 : i32
      %dma_start3A_63 = arith.constant 0 : i32
      %dma_start3A_64 = tpu.memref_slice %arg7[%add3A_62, %dma_start3A_63] : memref<125x80xi32, #tpu.memory_space<vmem>> -> memref<1x80xi32, #tpu.memory_space<vmem>>
      %dma_start3A_65 = tpu.memref_squeeze %dma_start3A_64 : memref<1x80xi32, #tpu.memory_space<vmem>> -> memref<80xi32, #tpu.memory_space<vmem>>
      %dma_start3A_66 = arith.constant 0 : i32
      %dma_start3A_67 = arith.constant 0 : i32
      %dma_start3A_68 = tpu.memref_slice %arg2[%dma_start3A_66, %dma_start3A_67] : memref<10000x128xf32, #tpu.memory_space<hbm>> -> memref<10000x128xf32, #tpu.memory_space<hbm>>
      tpu.enqueue_indirect_dma source(%dma_start3A_68 : memref<10000x128xf32, #tpu.memory_space<hbm>>) target(%arg11 : memref<80x128xf32, #tpu.memory_space<vmem>>) offsets(%dma_start3A_65 : memref<80xi32, #tpu.memory_space<vmem>>) semaphore(%arg14 : memref<!tpu.dma_semaphore, #tpu.memory_space<semaphore_mem>>)
      %dma_wait3A_69 = arith.constant 0 : i32
      %dma_wait3A_70 = arith.constant 0 : i32
      %dma_wait3A_71 = tpu.memref_slice %arg2[%dma_wait3A_69, %dma_wait3A_70] : memref<10000x128xf32, #tpu.memory_space<hbm>> -> memref<80x128xf32, #tpu.memory_space<hbm>>
      %dma_wait3A_72 = arith.constant 0 : i32
      %dma_wait3A_73 = arith.constant 0 : i32
      %dma_wait3A_74 = tpu.memref_slice %arg2[%dma_wait3A_72, %dma_wait3A_73] : memref<10000x128xf32, #tpu.memory_space<hbm>> -> memref<80x128xf32, #tpu.memory_space<hbm>>
      tpu.wait_dma2 semaphore(%arg13 : memref<!tpu.dma_semaphore, #tpu.memory_space<semaphore_mem>>) src(%dma_wait3A_74 : memref<80x128xf32, #tpu.memory_space<hbm>>) dst(%arg10 : memref<80x128xf32, #tpu.memory_space<vmem>>)
      %scan3A_75 = arith.constant 0 : i32
      %scan3A_76 = arith.constant 0 : i32
      %scan3A_77 = arith.constant 80 : i32
      %scan3A_78 = arith.addi %scan3A_76, %scan3A_77 : i32
      %scan3A_79 = arith.constant 1 : i32
      %scan3A_80 = scf.for %scan3A_105 = %scan3A_76 to %scan3A_78 step %scan3A_79 iter_args(%scan3A_106 = %scan3A_75) -> (i32)  : i32 {
        %mul3A_107 = arith.constant 80 : i32
        %mul3A_108 = arith.muli %mul3A_60, %mul3A_107 : i32
        %add3A_109 = arith.addi %mul3A_108, %scan3A_105 : i32
        %broadcast_in_dim3A_110 = vector.broadcast %add3A_109 : i32 to vector<16xi32>
        %gather3A = tpu.vector_load_idx %arg9[%broadcast_in_dim3A_110] : memref<10000xf32, #tpu.memory_space<vmem>>[vector<16xi32>], vector<16xf32>,
        %get3A = arith.index_cast %scan3A_105 : i32 to index
        %get3A_111 = arith.constant 0 : index
        %get3A_112 = tpu.vector_load %arg10[%get3A, %get3A_111] {strides = array<i32>} : memref<80x128xf32, #tpu.memory_space<vmem>>, vector<16xf32>,
        %mul3A_113 = arith.mulf %get3A_112, %gather3A : vector<16xf32>
        %swap3A = arith.index_cast %scan3A_105 : i32 to index
        %swap3A_114 = arith.constant 0 : index
        %swap3A_115 = tpu.vector_load %arg10[%swap3A, %swap3A_114] {strides = array<i32>} : memref<80x128xf32, #tpu.memory_space<vmem>>, vector<16xf32>,
        tpu.vector_store %arg10[%swap3A, %swap3A_114], %mul3A_113 {strides = array<i32>} : memref<80x128xf32, #tpu.memory_space<vmem>>, vector<16xf32>,
        %get3A_116 = arith.index_cast %scan3A_105 : i32 to index
        %get3A_117 = arith.constant 16 : index
        %get3A_118 = tpu.vector_load %arg10[%get3A_116, %get3A_117] {strides = array<i32>} : memref<80x128xf32, #tpu.memory_space<vmem>>, vector<16xf32>,
        %mul3A_119 = arith.mulf %get3A_118, %gather3A : vector<16xf32>
        %swap3A_120 = arith.index_cast %scan3A_105 : i32 to index
        %swap3A_121 = arith.constant 16 : index
        %swap3A_122 = tpu.vector_load %arg10[%swap3A_120, %swap3A_121] {strides = array<i32>} : memref<80x128xf32, #tpu.memory_space<vmem>>, vector<16xf32>,
        tpu.vector_store %arg10[%swap3A_120, %swap3A_121], %mul3A_119 {strides = array<i32>} : memref<80x128xf32, #tpu.memory_space<vmem>>, vector<16xf32>,
        %get3A_123 = arith.index_cast %scan3A_105 : i32 to index
        %get3A_124 = arith.constant 32 : index
        %get3A_125 = tpu.vector_load %arg10[%get3A_123, %get3A_124] {strides = array<i32>} : memref<80x128xf32, #tpu.memory_space<vmem>>, vector<16xf32>,
        %mul3A_126 = arith.mulf %get3A_125, %gather3A : vector<16xf32>
        %swap3A_127 = arith.index_cast %scan3A_105 : i32 to index
        %swap3A_128 = arith.constant 32 : index
        %swap3A_129 = tpu.vector_load %arg10[%swap3A_127, %swap3A_128] {strides = array<i32>} : memref<80x128xf32, #tpu.memory_space<vmem>>, vector<16xf32>,
        tpu.vector_store %arg10[%swap3A_127, %swap3A_128], %mul3A_126 {strides = array<i32>} : memref<80x128xf32, #tpu.memory_space<vmem>>, vector<16xf32>,
        %get3A_130 = arith.index_cast %scan3A_105 : i32 to index
        %get3A_131 = arith.constant 48 : index
        %get3A_132 = tpu.vector_load %arg10[%get3A_130, %get3A_131] {strides = array<i32>} : memref<80x128xf32, #tpu.memory_space<vmem>>, vector<16xf32>,
        %mul3A_133 = arith.mulf %get3A_132, %gather3A : vector<16xf32>
        %swap3A_134 = arith.index_cast %scan3A_105 : i32 to index
        %swap3A_135 = arith.constant 48 : index
        %swap3A_136 = tpu.vector_load %arg10[%swap3A_134, %swap3A_135] {strides = array<i32>} : memref<80x128xf32, #tpu.memory_space<vmem>>, vector<16xf32>,
        tpu.vector_store %arg10[%swap3A_134, %swap3A_135], %mul3A_133 {strides = array<i32>} : memref<80x128xf32, #tpu.memory_space<vmem>>, vector<16xf32>,
        %get3A_137 = arith.index_cast %scan3A_105 : i32 to index
        %get3A_138 = arith.constant 64 : index
        %get3A_139 = tpu.vector_load %arg10[%get3A_137, %get3A_138] {strides = array<i32>} : memref<80x128xf32, #tpu.memory_space<vmem>>, vector<16xf32>,
        %mul3A_140 = arith.mulf %get3A_139, %gather3A : vector<16xf32>
        %swap3A_141 = arith.index_cast %scan3A_105 : i32 to index
        %swap3A_142 = arith.constant 64 : index
        %swap3A_143 = tpu.vector_load %arg10[%swap3A_141, %swap3A_142] {strides = array<i32>} : memref<80x128xf32, #tpu.memory_space<vmem>>, vector<16xf32>,
        tpu.vector_store %arg10[%swap3A_141, %swap3A_142], %mul3A_140 {strides = array<i32>} : memref<80x128xf32, #tpu.memory_space<vmem>>, vector<16xf32>,
        %get3A_144 = arith.index_cast %scan3A_105 : i32 to index
        %get3A_145 = arith.constant 80 : index
        %get3A_146 = tpu.vector_load %arg10[%get3A_144, %get3A_145] {strides = array<i32>} : memref<80x128xf32, #tpu.memory_space<vmem>>, vector<16xf32>,
        %mul3A_147 = arith.mulf %get3A_146, %gather3A : vector<16xf32>
        %swap3A_148 = arith.index_cast %scan3A_105 : i32 to index
        %swap3A_149 = arith.constant 80 : index
        %swap3A_150 = tpu.vector_load %arg10[%swap3A_148, %swap3A_149] {strides = array<i32>} : memref<80x128xf32, #tpu.memory_space<vmem>>, vector<16xf32>,
        tpu.vector_store %arg10[%swap3A_148, %swap3A_149], %mul3A_147 {strides = array<i32>} : memref<80x128xf32, #tpu.memory_space<vmem>>, vector<16xf32>,
        %get3A_151 = arith.index_cast %scan3A_105 : i32 to index
        %get3A_152 = arith.constant 96 : index
        %get3A_153 = tpu.vector_load %arg10[%get3A_151, %get3A_152] {strides = array<i32>} : memref<80x128xf32, #tpu.memory_space<vmem>>, vector<16xf32>,
        %mul3A_154 = arith.mulf %get3A_153, %gather3A : vector<16xf32>
        %swap3A_155 = arith.index_cast %scan3A_105 : i32 to index
        %swap3A_156 = arith.constant 96 : index
        %swap3A_157 = tpu.vector_load %arg10[%swap3A_155, %swap3A_156] {strides = array<i32>} : memref<80x128xf32, #tpu.memory_space<vmem>>, vector<16xf32>,
        tpu.vector_store %arg10[%swap3A_155, %swap3A_156], %mul3A_154 {strides = array<i32>} : memref<80x128xf32, #tpu.memory_space<vmem>>, vector<16xf32>,
        %get3A_158 = arith.index_cast %scan3A_105 : i32 to index
        %get3A_159 = arith.constant 112 : index
        %get3A_160 = tpu.vector_load %arg10[%get3A_158, %get3A_159] {strides = array<i32>} : memref<80x128xf32, #tpu.memory_space<vmem>>, vector<16xf32>,
        %mul3A_161 = arith.mulf %get3A_160, %gather3A : vector<16xf32>
        %swap3A_162 = arith.index_cast %scan3A_105 : i32 to index
        %swap3A_163 = arith.constant 112 : index
        %swap3A_164 = tpu.vector_load %arg10[%swap3A_162, %swap3A_163] {strides = array<i32>} : memref<80x128xf32, #tpu.memory_space<vmem>>, vector<16xf32>,
        tpu.vector_store %arg10[%swap3A_162, %swap3A_163], %mul3A_161 {strides = array<i32>} : memref<80x128xf32, #tpu.memory_space<vmem>>, vector<16xf32>,
        %scan3A_165 = arith.constant 0 : i32
        scf.yield %scan3A_165 : i32
      }
      %scan3A_81 = arith.constant 80 : i32
      "tpu.region"() ({
        %run_scoped3A_105 = tpu.sem_alloc : memref<!tpu.dma_semaphore, #tpu.memory_space<semaphore_mem>>
        %dma_start3A_106 = arith.constant 0 : i32
        %dma_start3A_107 = tpu.memref_slice %arg8[%mul3A_60, %dma_start3A_106] : memref<125x80xi32, #tpu.memory_space<vmem>> -> memref<1x80xi32, #tpu.memory_space<vmem>>
        %dma_start3A_108 = tpu.memref_squeeze %dma_start3A_107 : memref<1x80xi32, #tpu.memory_space<vmem>> -> memref<80xi32, #tpu.memory_space<vmem>>
        %dma_start3A_109 = arith.constant 0 : i32
        %dma_start3A_110 = arith.constant 0 : i32
        %dma_start3A_111 = tpu.memref_slice %arg12[%dma_start3A_109, %dma_start3A_110] : memref<10000x128xf32, #tpu.memory_space<vmem_shared>> -> memref<10000x128xf32, #tpu.memory_space<vmem_shared>>
        tpu.enqueue_indirect_dma source(%arg10 : memref<80x128xf32, #tpu.memory_space<vmem>>) target(%dma_start3A_111 : memref<10000x128xf32, #tpu.memory_space<vmem_shared>>) offsets(%dma_start3A_108 : memref<80xi32, #tpu.memory_space<vmem>>) semaphore(%run_scoped3A_105 : memref<!tpu.dma_semaphore, #tpu.memory_space<semaphore_mem>>) {add = true}
        %dma_wait3A_112 = arith.constant 0 : i32
        %dma_wait3A_113 = tpu.memref_slice %arg8[%mul3A_60, %dma_wait3A_112] : memref<125x80xi32, #tpu.memory_space<vmem>> -> memref<1x80xi32, #tpu.memory_space<vmem>>
        %dma_wait3A_114 = tpu.memref_squeeze %dma_wait3A_113 : memref<1x80xi32, #tpu.memory_space<vmem>> -> memref<80xi32, #tpu.memory_space<vmem>>
        %dma_wait3A_115 = arith.constant 0 : i32
        %dma_wait3A_116 = arith.constant 0 : i32
        %dma_wait3A_117 = tpu.memref_slice %arg12[%dma_wait3A_115, %dma_wait3A_116] : memref<10000x128xf32, #tpu.memory_space<vmem_shared>> -> memref<10000x128xf32, #tpu.memory_space<vmem_shared>>
        tpu.wait_indirect_dma semaphore(%run_scoped3A_105 : memref<!tpu.dma_semaphore, #tpu.memory_space<semaphore_mem>>) src(%arg10 : memref<80x128xf32, #tpu.memory_space<vmem>>) dst(%dma_wait3A_117 : memref<10000x128xf32, #tpu.memory_space<vmem_shared>>)
        tpu.yield
      }) : () -> ()
      %add3A_82 = arith.constant 2 : i32
      %add3A_83 = arith.addi %mul3A_60, %add3A_82 : i32
      %lt3A_84 = arith.constant 125 : i32
      %lt3A_85 = arith.cmpi slt, %add3A_83, %lt3A_84 : i32
      %convert_element_type3A_86 = arith.extui %lt3A_85 : i1 to i32
      %cond3A_87 = arith.constant 0 : i32
      %cond3A_88 = arith.cmpi ne, %convert_element_type3A_86, %cond3A_87 : i32
      scf.if %cond3A_88 {
        %add3A_105 = arith.constant 2 : i32
        %add3A_106 = arith.addi %mul3A_60, %add3A_105 : i32
        %dma_start3A_107 = arith.constant 0 : i32
        %dma_start3A_108 = tpu.memref_slice %arg7[%add3A_106, %dma_start3A_107] : memref<125x80xi32, #tpu.memory_space<vmem>> -> memref<1x80xi32, #tpu.memory_space<vmem>>
        %dma_start3A_109 = tpu.memref_squeeze %dma_start3A_108 : memref<1x80xi32, #tpu.memory_space<vmem>> -> memref<80xi32, #tpu.memory_space<vmem>>
        %dma_start3A_110 = arith.constant 0 : i32
        %dma_start3A_111 = arith.constant 0 : i32
        %dma_start3A_112 = tpu.memref_slice %arg2[%dma_start3A_110, %dma_start3A_111] : memref<10000x128xf32, #tpu.memory_space<hbm>> -> memref<10000x128xf32, #tpu.memory_space<hbm>>
        tpu.enqueue_indirect_dma source(%dma_start3A_112 : memref<10000x128xf32, #tpu.memory_space<hbm>>) target(%arg10 : memref<80x128xf32, #tpu.memory_space<vmem>>) offsets(%dma_start3A_109 : memref<80xi32, #tpu.memory_space<vmem>>) semaphore(%arg13 : memref<!tpu.dma_semaphore, #tpu.memory_space<semaphore_mem>>)
      } else {
      }
      %dma_wait3A_89 = arith.constant 0 : i32
      %dma_wait3A_90 = arith.constant 0 : i32
      %dma_wait3A_91 = tpu.memref_slice %arg2[%dma_wait3A_89, %dma_wait3A_90] : memref<10000x128xf32, #tpu.memory_space<hbm>> -> memref<80x128xf32, #tpu.memory_space<hbm>>
      %dma_wait3A_92 = arith.constant 0 : i32
      %dma_wait3A_93 = arith.constant 0 : i32
      %dma_wait3A_94 = tpu.memref_slice %arg2[%dma_wait3A_92, %dma_wait3A_93] : memref<10000x128xf32, #tpu.memory_space<hbm>> -> memref<80x128xf32, #tpu.memory_space<hbm>>
      tpu.wait_dma2 semaphore(%arg14 : memref<!tpu.dma_semaphore, #tpu.memory_space<semaphore_mem>>) src(%dma_wait3A_94 : memref<80x128xf32, #tpu.memory_space<hbm>>) dst(%arg11 : memref<80x128xf32, #tpu.memory_space<vmem>>)
      %add3A_95 = arith.constant 1 : i32
      %add3A_96 = arith.addi %mul3A_60, %add3A_95 : i32
      %scan3A_97 = arith.constant 0 : i32
      %scan3A_98 = arith.constant 0 : i32
      %scan3A_99 = arith.constant 80 : i32
      %scan3A_100 = arith.addi %scan3A_98, %scan3A_99 : i32
      %scan3A_101 = arith.constant 1 : i32
      %scan3A_102 = scf.for %scan3A_105 = %scan3A_98 to %scan3A_100 step %scan3A_101 iter_args(%scan3A_106 = %scan3A_97) -> (i32)  : i32 {
        %mul3A_107 = arith.constant 80 : i32
        %mul3A_108 = arith.muli %add3A_96, %mul3A_107 : i32
        %add3A_109 = arith.addi %mul3A_108, %scan3A_105 : i32
        %broadcast_in_dim3A_110 = vector.broadcast %add3A_109 : i32 to vector<16xi32>
        %gather3A = tpu.vector_load_idx %arg9[%broadcast_in_dim3A_110] : memref<10000xf32, #tpu.memory_space<vmem>>[vector<16xi32>], vector<16xf32>,
        %get3A = arith.index_cast %scan3A_105 : i32 to index
        %get3A_111 = arith.constant 0 : index
        %get3A_112 = tpu.vector_load %arg11[%get3A, %get3A_111] {strides = array<i32>} : memref<80x128xf32, #tpu.memory_space<vmem>>, vector<16xf32>,
        %mul3A_113 = arith.mulf %get3A_112, %gather3A : vector<16xf32>
        %swap3A = arith.index_cast %scan3A_105 : i32 to index
        %swap3A_114 = arith.constant 0 : index
        %swap3A_115 = tpu.vector_load %arg11[%swap3A, %swap3A_114] {strides = array<i32>} : memref<80x128xf32, #tpu.memory_space<vmem>>, vector<16xf32>,
        tpu.vector_store %arg11[%swap3A, %swap3A_114], %mul3A_113 {strides = array<i32>} : memref<80x128xf32, #tpu.memory_space<vmem>>, vector<16xf32>,
        %get3A_116 = arith.index_cast %scan3A_105 : i32 to index
        %get3A_117 = arith.constant 16 : index
        %get3A_118 = tpu.vector_load %arg11[%get3A_116, %get3A_117] {strides = array<i32>} : memref<80x128xf32, #tpu.memory_space<vmem>>, vector<16xf32>,
        %mul3A_119 = arith.mulf %get3A_118, %gather3A : vector<16xf32>
        %swap3A_120 = arith.index_cast %scan3A_105 : i32 to index
        %swap3A_121 = arith.constant 16 : index
        %swap3A_122 = tpu.vector_load %arg11[%swap3A_120, %swap3A_121] {strides = array<i32>} : memref<80x128xf32, #tpu.memory_space<vmem>>, vector<16xf32>,
        tpu.vector_store %arg11[%swap3A_120, %swap3A_121], %mul3A_119 {strides = array<i32>} : memref<80x128xf32, #tpu.memory_space<vmem>>, vector<16xf32>,
        %get3A_123 = arith.index_cast %scan3A_105 : i32 to index
        %get3A_124 = arith.constant 32 : index
        %get3A_125 = tpu.vector_load %arg11[%get3A_123, %get3A_124] {strides = array<i32>} : memref<80x128xf32, #tpu.memory_space<vmem>>, vector<16xf32>,
        %mul3A_126 = arith.mulf %get3A_125, %gather3A : vector<16xf32>
        %swap3A_127 = arith.index_cast %scan3A_105 : i32 to index
        %swap3A_128 = arith.constant 32 : index
        %swap3A_129 = tpu.vector_load %arg11[%swap3A_127, %swap3A_128] {strides = array<i32>} : memref<80x128xf32, #tpu.memory_space<vmem>>, vector<16xf32>,
        tpu.vector_store %arg11[%swap3A_127, %swap3A_128], %mul3A_126 {strides = array<i32>} : memref<80x128xf32, #tpu.memory_space<vmem>>, vector<16xf32>,
        %get3A_130 = arith.index_cast %scan3A_105 : i32 to index
        %get3A_131 = arith.constant 48 : index
        %get3A_132 = tpu.vector_load %arg11[%get3A_130, %get3A_131] {strides = array<i32>} : memref<80x128xf32, #tpu.memory_space<vmem>>, vector<16xf32>,
        %mul3A_133 = arith.mulf %get3A_132, %gather3A : vector<16xf32>
        %swap3A_134 = arith.index_cast %scan3A_105 : i32 to index
        %swap3A_135 = arith.constant 48 : index
        %swap3A_136 = tpu.vector_load %arg11[%swap3A_134, %swap3A_135] {strides = array<i32>} : memref<80x128xf32, #tpu.memory_space<vmem>>, vector<16xf32>,
        tpu.vector_store %arg11[%swap3A_134, %swap3A_135], %mul3A_133 {strides = array<i32>} : memref<80x128xf32, #tpu.memory_space<vmem>>, vector<16xf32>,
        %get3A_137 = arith.index_cast %scan3A_105 : i32 to index
        %get3A_138 = arith.constant 64 : index
        %get3A_139 = tpu.vector_load %arg11[%get3A_137, %get3A_138] {strides = array<i32>} : memref<80x128xf32, #tpu.memory_space<vmem>>, vector<16xf32>,
        %mul3A_140 = arith.mulf %get3A_139, %gather3A : vector<16xf32>
        %swap3A_141 = arith.index_cast %scan3A_105 : i32 to index
        %swap3A_142 = arith.constant 64 : index
        %swap3A_143 = tpu.vector_load %arg11[%swap3A_141, %swap3A_142] {strides = array<i32>} : memref<80x128xf32, #tpu.memory_space<vmem>>, vector<16xf32>,
        tpu.vector_store %arg11[%swap3A_141, %swap3A_142], %mul3A_140 {strides = array<i32>} : memref<80x128xf32, #tpu.memory_space<vmem>>, vector<16xf32>,
        %get3A_144 = arith.index_cast %scan3A_105 : i32 to index
        %get3A_145 = arith.constant 80 : index
        %get3A_146 = tpu.vector_load %arg11[%get3A_144, %get3A_145] {strides = array<i32>} : memref<80x128xf32, #tpu.memory_space<vmem>>, vector<16xf32>,
        %mul3A_147 = arith.mulf %get3A_146, %gather3A : vector<16xf32>
        %swap3A_148 = arith.index_cast %scan3A_105 : i32 to index
        %swap3A_149 = arith.constant 80 : index
        %swap3A_150 = tpu.vector_load %arg11[%swap3A_148, %swap3A_149] {strides = array<i32>} : memref<80x128xf32, #tpu.memory_space<vmem>>, vector<16xf32>,
        tpu.vector_store %arg11[%swap3A_148, %swap3A_149], %mul3A_147 {strides = array<i32>} : memref<80x128xf32, #tpu.memory_space<vmem>>, vector<16xf32>,
        %get3A_151 = arith.index_cast %scan3A_105 : i32 to index
        %get3A_152 = arith.constant 96 : index
        %get3A_153 = tpu.vector_load %arg11[%get3A_151, %get3A_152] {strides = array<i32>} : memref<80x128xf32, #tpu.memory_space<vmem>>, vector<16xf32>,
        %mul3A_154 = arith.mulf %get3A_153, %gather3A : vector<16xf32>
        %swap3A_155 = arith.index_cast %scan3A_105 : i32 to index
        %swap3A_156 = arith.constant 96 : index
        %swap3A_157 = tpu.vector_load %arg11[%swap3A_155, %swap3A_156] {strides = array<i32>} : memref<80x128xf32, #tpu.memory_space<vmem>>, vector<16xf32>,
        tpu.vector_store %arg11[%swap3A_155, %swap3A_156], %mul3A_154 {strides = array<i32>} : memref<80x128xf32, #tpu.memory_space<vmem>>, vector<16xf32>,
        %get3A_158 = arith.index_cast %scan3A_105 : i32 to index
        %get3A_159 = arith.constant 112 : index
        %get3A_160 = tpu.vector_load %arg11[%get3A_158, %get3A_159] {strides = array<i32>} : memref<80x128xf32, #tpu.memory_space<vmem>>, vector<16xf32>,
        %mul3A_161 = arith.mulf %get3A_160, %gather3A : vector<16xf32>
        %swap3A_162 = arith.index_cast %scan3A_105 : i32 to index
        %swap3A_163 = arith.constant 112 : index
        %swap3A_164 = tpu.vector_load %arg11[%swap3A_162, %swap3A_163] {strides = array<i32>} : memref<80x128xf32, #tpu.memory_space<vmem>>, vector<16xf32>,
        tpu.vector_store %arg11[%swap3A_162, %swap3A_163], %mul3A_161 {strides = array<i32>} : memref<80x128xf32, #tpu.memory_space<vmem>>, vector<16xf32>,
        %scan3A_165 = arith.constant 0 : i32
        scf.yield %scan3A_165 : i32
      }
      %scan3A_103 = arith.constant 80 : i32
      "tpu.region"() ({
        %run_scoped3A_105 = tpu.sem_alloc : memref<!tpu.dma_semaphore, #tpu.memory_space<semaphore_mem>>
        %dma_start3A_106 = arith.constant 0 : i32
        %dma_start3A_107 = tpu.memref_slice %arg8[%add3A_96, %dma_start3A_106] : memref<125x80xi32, #tpu.memory_space<vmem>> -> memref<1x80xi32, #tpu.memory_space<vmem>>
        %dma_start3A_108 = tpu.memref_squeeze %dma_start3A_107 : memref<1x80xi32, #tpu.memory_space<vmem>> -> memref<80xi32, #tpu.memory_space<vmem>>
        %dma_start3A_109 = arith.constant 0 : i32
        %dma_start3A_110 = arith.constant 0 : i32
        %dma_start3A_111 = tpu.memref_slice %arg12[%dma_start3A_109, %dma_start3A_110] : memref<10000x128xf32, #tpu.memory_space<vmem_shared>> -> memref<10000x128xf32, #tpu.memory_space<vmem_shared>>
        tpu.enqueue_indirect_dma source(%arg11 : memref<80x128xf32, #tpu.memory_space<vmem>>) target(%dma_start3A_111 : memref<10000x128xf32, #tpu.memory_space<vmem_shared>>) offsets(%dma_start3A_108 : memref<80xi32, #tpu.memory_space<vmem>>) semaphore(%run_scoped3A_105 : memref<!tpu.dma_semaphore, #tpu.memory_space<semaphore_mem>>) {add = true}
        %dma_wait3A_112 = arith.constant 0 : i32
        %dma_wait3A_113 = tpu.memref_slice %arg8[%add3A_96, %dma_wait3A_112] : memref<125x80xi32, #tpu.memory_space<vmem>> -> memref<1x80xi32, #tpu.memory_space<vmem>>
        %dma_wait3A_114 = tpu.memref_squeeze %dma_wait3A_113 : memref<1x80xi32, #tpu.memory_space<vmem>> -> memref<80xi32, #tpu.memory_space<vmem>>
        %dma_wait3A_115 = arith.constant 0 : i32
        %dma_wait3A_116 = arith.constant 0 : i32
        %dma_wait3A_117 = tpu.memref_slice %arg12[%dma_wait3A_115, %dma_wait3A_116] : memref<10000x128xf32, #tpu.memory_space<vmem_shared>> -> memref<10000x128xf32, #tpu.memory_space<vmem_shared>>
        tpu.wait_indirect_dma semaphore(%run_scoped3A_105 : memref<!tpu.dma_semaphore, #tpu.memory_space<semaphore_mem>>) src(%arg11 : memref<80x128xf32, #tpu.memory_space<vmem>>) dst(%dma_wait3A_117 : memref<10000x128xf32, #tpu.memory_space<vmem_shared>>)
        tpu.yield
      }) : () -> ()
      %scan3A_104 = arith.constant 0 : i32
      scf.yield %scan3A_104 : i32
    }
    %scan3A_34 = arith.constant 62 : i32
    %dma_wait3A = arith.constant 0 : i32
    %dma_wait3A_35 = arith.constant 0 : i32
    %dma_wait3A_36 = tpu.memref_slice %arg2[%dma_wait3A, %dma_wait3A_35] : memref<10000x128xf32, #tpu.memory_space<hbm>> -> memref<80x128xf32, #tpu.memory_space<hbm>>
    %dma_wait3A_37 = arith.constant 0 : i32
    %dma_wait3A_38 = arith.constant 0 : i32
    %dma_wait3A_39 = tpu.memref_slice %arg2[%dma_wait3A_37, %dma_wait3A_38] : memref<10000x128xf32, #tpu.memory_space<hbm>> -> memref<80x128xf32, #tpu.memory_space<hbm>>
    tpu.wait_dma2 semaphore(%arg13 : memref<!tpu.dma_semaphore, #tpu.memory_space<semaphore_mem>>) src(%dma_wait3A_39 : memref<80x128xf32, #tpu.memory_space<hbm>>) dst(%arg10 : memref<80x128xf32, #tpu.memory_space<vmem>>)
    %scan3A_40 = arith.constant 0 : i32
    %scan3A_41 = arith.constant 0 : i32
    %scan3A_42 = arith.constant 80 : i32
    %scan3A_43 = arith.addi %scan3A_41, %scan3A_42 : i32
    %scan3A_44 = arith.constant 1 : i32
    %scan3A_45 = scf.for %scan3A_57 = %scan3A_41 to %scan3A_43 step %scan3A_44 iter_args(%scan3A_58 = %scan3A_40) -> (i32)  : i32 {
      %add3A_59 = arith.constant 9920 : i32
      %add3A_60 = arith.addi %add3A_59, %scan3A_57 : i32
      %broadcast_in_dim3A_61 = vector.broadcast %add3A_60 : i32 to vector<16xi32>
      %gather3A = tpu.vector_load_idx %arg9[%broadcast_in_dim3A_61] : memref<10000xf32, #tpu.memory_space<vmem>>[vector<16xi32>], vector<16xf32>,
      %get3A = arith.index_cast %scan3A_57 : i32 to index
      %get3A_62 = arith.constant 0 : index
      %get3A_63 = tpu.vector_load %arg10[%get3A, %get3A_62] {strides = array<i32>} : memref<80x128xf32, #tpu.memory_space<vmem>>, vector<16xf32>,
      %mul3A_64 = arith.mulf %get3A_63, %gather3A : vector<16xf32>
      %swap3A = arith.index_cast %scan3A_57 : i32 to index
      %swap3A_65 = arith.constant 0 : index
      %swap3A_66 = tpu.vector_load %arg10[%swap3A, %swap3A_65] {strides = array<i32>} : memref<80x128xf32, #tpu.memory_space<vmem>>, vector<16xf32>,
      tpu.vector_store %arg10[%swap3A, %swap3A_65], %mul3A_64 {strides = array<i32>} : memref<80x128xf32, #tpu.memory_space<vmem>>, vector<16xf32>,
      %get3A_67 = arith.index_cast %scan3A_57 : i32 to index
      %get3A_68 = arith.constant 16 : index
      %get3A_69 = tpu.vector_load %arg10[%get3A_67, %get3A_68] {strides = array<i32>} : memref<80x128xf32, #tpu.memory_space<vmem>>, vector<16xf32>,
      %mul3A_70 = arith.mulf %get3A_69, %gather3A : vector<16xf32>
      %swap3A_71 = arith.index_cast %scan3A_57 : i32 to index
      %swap3A_72 = arith.constant 16 : index
      %swap3A_73 = tpu.vector_load %arg10[%swap3A_71, %swap3A_72] {strides = array<i32>} : memref<80x128xf32, #tpu.memory_space<vmem>>, vector<16xf32>,
      tpu.vector_store %arg10[%swap3A_71, %swap3A_72], %mul3A_70 {strides = array<i32>} : memref<80x128xf32, #tpu.memory_space<vmem>>, vector<16xf32>,
      %get3A_74 = arith.index_cast %scan3A_57 : i32 to index
      %get3A_75 = arith.constant 32 : index
      %get3A_76 = tpu.vector_load %arg10[%get3A_74, %get3A_75] {strides = array<i32>} : memref<80x128xf32, #tpu.memory_space<vmem>>, vector<16xf32>,
      %mul3A_77 = arith.mulf %get3A_76, %gather3A : vector<16xf32>
      %swap3A_78 = arith.index_cast %scan3A_57 : i32 to index
      %swap3A_79 = arith.constant 32 : index
      %swap3A_80 = tpu.vector_load %arg10[%swap3A_78, %swap3A_79] {strides = array<i32>} : memref<80x128xf32, #tpu.memory_space<vmem>>, vector<16xf32>,
      tpu.vector_store %arg10[%swap3A_78, %swap3A_79], %mul3A_77 {strides = array<i32>} : memref<80x128xf32, #tpu.memory_space<vmem>>, vector<16xf32>,
      %get3A_81 = arith.index_cast %scan3A_57 : i32 to index
      %get3A_82 = arith.constant 48 : index
      %get3A_83 = tpu.vector_load %arg10[%get3A_81, %get3A_82] {strides = array<i32>} : memref<80x128xf32, #tpu.memory_space<vmem>>, vector<16xf32>,
      %mul3A_84 = arith.mulf %get3A_83, %gather3A : vector<16xf32>
      %swap3A_85 = arith.index_cast %scan3A_57 : i32 to index
      %swap3A_86 = arith.constant 48 : index
      %swap3A_87 = tpu.vector_load %arg10[%swap3A_85, %swap3A_86] {strides = array<i32>} : memref<80x128xf32, #tpu.memory_space<vmem>>, vector<16xf32>,
      tpu.vector_store %arg10[%swap3A_85, %swap3A_86], %mul3A_84 {strides = array<i32>} : memref<80x128xf32, #tpu.memory_space<vmem>>, vector<16xf32>,
      %get3A_88 = arith.index_cast %scan3A_57 : i32 to index
      %get3A_89 = arith.constant 64 : index
      %get3A_90 = tpu.vector_load %arg10[%get3A_88, %get3A_89] {strides = array<i32>} : memref<80x128xf32, #tpu.memory_space<vmem>>, vector<16xf32>,
      %mul3A_91 = arith.mulf %get3A_90, %gather3A : vector<16xf32>
      %swap3A_92 = arith.index_cast %scan3A_57 : i32 to index
      %swap3A_93 = arith.constant 64 : index
      %swap3A_94 = tpu.vector_load %arg10[%swap3A_92, %swap3A_93] {strides = array<i32>} : memref<80x128xf32, #tpu.memory_space<vmem>>, vector<16xf32>,
      tpu.vector_store %arg10[%swap3A_92, %swap3A_93], %mul3A_91 {strides = array<i32>} : memref<80x128xf32, #tpu.memory_space<vmem>>, vector<16xf32>,
      %get3A_95 = arith.index_cast %scan3A_57 : i32 to index
      %get3A_96 = arith.constant 80 : index
      %get3A_97 = tpu.vector_load %arg10[%get3A_95, %get3A_96] {strides = array<i32>} : memref<80x128xf32, #tpu.memory_space<vmem>>, vector<16xf32>,
      %mul3A_98 = arith.mulf %get3A_97, %gather3A : vector<16xf32>
      %swap3A_99 = arith.index_cast %scan3A_57 : i32 to index
      %swap3A_100 = arith.constant 80 : index
      %swap3A_101 = tpu.vector_load %arg10[%swap3A_99, %swap3A_100] {strides = array<i32>} : memref<80x128xf32, #tpu.memory_space<vmem>>, vector<16xf32>,
      tpu.vector_store %arg10[%swap3A_99, %swap3A_100], %mul3A_98 {strides = array<i32>} : memref<80x128xf32, #tpu.memory_space<vmem>>, vector<16xf32>,
      %get3A_102 = arith.index_cast %scan3A_57 : i32 to index
      %get3A_103 = arith.constant 96 : index
      %get3A_104 = tpu.vector_load %arg10[%get3A_102, %get3A_103] {strides = array<i32>} : memref<80x128xf32, #tpu.memory_space<vmem>>, vector<16xf32>,
      %mul3A_105 = arith.mulf %get3A_104, %gather3A : vector<16xf32>
      %swap3A_106 = arith.index_cast %scan3A_57 : i32 to index
      %swap3A_107 = arith.constant 96 : index
      %swap3A_108 = tpu.vector_load %arg10[%swap3A_106, %swap3A_107] {strides = array<i32>} : memref<80x128xf32, #tpu.memory_space<vmem>>, vector<16xf32>,
      tpu.vector_store %arg10[%swap3A_106, %swap3A_107], %mul3A_105 {strides = array<i32>} : memref<80x128xf32, #tpu.memory_space<vmem>>, vector<16xf32>,
      %get3A_109 = arith.index_cast %scan3A_57 : i32 to index
      %get3A_110 = arith.constant 112 : index
      %get3A_111 = tpu.vector_load %arg10[%get3A_109, %get3A_110] {strides = array<i32>} : memref<80x128xf32, #tpu.memory_space<vmem>>, vector<16xf32>,
      %mul3A_112 = arith.mulf %get3A_111, %gather3A : vector<16xf32>
      %swap3A_113 = arith.index_cast %scan3A_57 : i32 to index
      %swap3A_114 = arith.constant 112 : index
      %swap3A_115 = tpu.vector_load %arg10[%swap3A_113, %swap3A_114] {strides = array<i32>} : memref<80x128xf32, #tpu.memory_space<vmem>>, vector<16xf32>,
      tpu.vector_store %arg10[%swap3A_113, %swap3A_114], %mul3A_112 {strides = array<i32>} : memref<80x128xf32, #tpu.memory_space<vmem>>, vector<16xf32>,
      %scan3A_116 = arith.constant 0 : i32
      scf.yield %scan3A_116 : i32
    }
    %scan3A_46 = arith.constant 80 : i32
    %run_scoped3A = arith.constant 124 : i32
    "tpu.region"() ({
      %run_scoped3A_57 = tpu.sem_alloc : memref<!tpu.dma_semaphore, #tpu.memory_space<semaphore_mem>>
      %dma_start3A_58 = arith.constant 0 : i32
      %dma_start3A_59 = tpu.memref_slice %arg8[%run_scoped3A, %dma_start3A_58] : memref<125x80xi32, #tpu.memory_space<vmem>> -> memref<1x80xi32, #tpu.memory_space<vmem>>
      %dma_start3A_60 = tpu.memref_squeeze %dma_start3A_59 : memref<1x80xi32, #tpu.memory_space<vmem>> -> memref<80xi32, #tpu.memory_space<vmem>>
      %dma_start3A_61 = arith.constant 0 : i32
      %dma_start3A_62 = arith.constant 0 : i32
      %dma_start3A_63 = tpu.memref_slice %arg12[%dma_start3A_61, %dma_start3A_62] : memref<10000x128xf32, #tpu.memory_space<vmem_shared>> -> memref<10000x128xf32, #tpu.memory_space<vmem_shared>>
      tpu.enqueue_indirect_dma source(%arg10 : memref<80x128xf32, #tpu.memory_space<vmem>>) target(%dma_start3A_63 : memref<10000x128xf32, #tpu.memory_space<vmem_shared>>) offsets(%dma_start3A_60 : memref<80xi32, #tpu.memory_space<vmem>>) semaphore(%run_scoped3A_57 : memref<!tpu.dma_semaphore, #tpu.memory_space<semaphore_mem>>) {add = true}
      %dma_wait3A_64 = arith.constant 0 : i32
      %dma_wait3A_65 = tpu.memref_slice %arg8[%run_scoped3A, %dma_wait3A_64] : memref<125x80xi32, #tpu.memory_space<vmem>> -> memref<1x80xi32, #tpu.memory_space<vmem>>
      %dma_wait3A_66 = tpu.memref_squeeze %dma_wait3A_65 : memref<1x80xi32, #tpu.memory_space<vmem>> -> memref<80xi32, #tpu.memory_space<vmem>>
      %dma_wait3A_67 = arith.constant 0 : i32
      %dma_wait3A_68 = arith.constant 0 : i32
      %dma_wait3A_69 = tpu.memref_slice %arg12[%dma_wait3A_67, %dma_wait3A_68] : memref<10000x128xf32, #tpu.memory_space<vmem_shared>> -> memref<10000x128xf32, #tpu.memory_space<vmem_shared>>
      tpu.wait_indirect_dma semaphore(%run_scoped3A_57 : memref<!tpu.dma_semaphore, #tpu.memory_space<semaphore_mem>>) src(%arg10 : memref<80x128xf32, #tpu.memory_space<vmem>>) dst(%dma_wait3A_69 : memref<10000x128xf32, #tpu.memory_space<vmem_shared>>)
      tpu.yield
    }) : () -> ()
    %barrier3A_47 = arith.constant 0 : index
    tpu.barrier barrier_id(%barrier3A_47)
    %lt3A_48 = arith.constant 15 : i32
    %lt3A_49 = arith.cmpi slt, %arg1, %lt3A_48 : i32
    %convert_element_type3A_50 = arith.extui %lt3A_49 : i1 to i32
    %cond3A_51 = arith.constant 0 : i32
    %cond3A_52 = arith.cmpi ne, %convert_element_type3A_50, %cond3A_51 : i32
    scf.if %cond3A_52 {
      "tpu.region"() ({
        %run_scoped3A_57 = tpu.sem_alloc : memref<!tpu.dma_semaphore, #tpu.memory_space<semaphore_mem>>
        %dma_start3A_58 = arith.constant 0 : i32
        %dma_start3A_59 = tpu.memref_slice %arg6[%arg0, %mul3A_3, %dma_start3A_58] : memref<2x10000x128xf32, #tpu.memory_space<hbm>> -> memref<1x640x128xf32, #tpu.memory_space<hbm>>
        %dma_start3A_60 = tpu.memref_squeeze %dma_start3A_59 : memref<1x640x128xf32, #tpu.memory_space<hbm>> -> memref<640x128xf32, #tpu.memory_space<hbm>>
        %dma_start3A_61 = arith.constant 0 : i32
        %dma_start3A_62 = tpu.memref_slice %arg12[%mul3A_3, %dma_start3A_61] : memref<10000x128xf32, #tpu.memory_space<vmem_shared>> -> memref<640x128xf32, #tpu.memory_space<vmem_shared>>
        tpu.enqueue_dma source(%dma_start3A_62 : memref<640x128xf32, #tpu.memory_space<vmem_shared>>) target(%dma_start3A_60 : memref<640x128xf32, #tpu.memory_space<hbm>>) target_semaphore(%run_scoped3A_57 : memref<!tpu.dma_semaphore, #tpu.memory_space<semaphore_mem>>)
        %dma_wait3A_63 = arith.constant 0 : i32
        %dma_wait3A_64 = tpu.memref_slice %arg6[%arg0, %mul3A_3, %dma_wait3A_63] : memref<2x10000x128xf32, #tpu.memory_space<hbm>> -> memref<1x640x128xf32, #tpu.memory_space<hbm>>
        %dma_wait3A_65 = tpu.memref_squeeze %dma_wait3A_64 : memref<1x640x128xf32, #tpu.memory_space<hbm>> -> memref<640x128xf32, #tpu.memory_space<hbm>>
        %dma_wait3A_66 = arith.constant 0 : i32
        %dma_wait3A_67 = tpu.memref_slice %arg12[%mul3A_3, %dma_wait3A_66] : memref<10000x128xf32, #tpu.memory_space<vmem_shared>> -> memref<640x128xf32, #tpu.memory_space<vmem_shared>>
        tpu.wait_dma2 semaphore(%run_scoped3A_57 : memref<!tpu.dma_semaphore, #tpu.memory_space<semaphore_mem>>) src(%dma_wait3A_67 : memref<640x128xf32, #tpu.memory_space<vmem_shared>>) dst(%dma_wait3A_65 : memref<640x128xf32, #tpu.memory_space<hbm>>)
        tpu.yield
      }) : () -> ()
    } else {
    }
    %eq3A = arith.constant 15 : i32
    %eq3A_53 = arith.cmpi eq, %arg1, %eq3A : i32
    %convert_element_type3A_54 = arith.extui %eq3A_53 : i1 to i32
    %cond3A_55 = arith.constant 0 : i32
    %cond3A_56 = arith.cmpi ne, %convert_element_type3A_54, %cond3A_55 : i32
    scf.if %cond3A_56 {
      "tpu.region"() ({
        %run_scoped3A_57 = tpu.sem_alloc : memref<!tpu.dma_semaphore, #tpu.memory_space<semaphore_mem>>
        %dma_start3A_58 = arith.constant 9600 : i32
        %dma_start3A_59 = arith.constant 0 : i32
        %dma_start3A_60 = tpu.memref_slice %arg6[%arg0, %dma_start3A_58, %dma_start3A_59] : memref<2x10000x128xf32, #tpu.memory_space<hbm>> -> memref<1x400x128xf32, #tpu.memory_space<hbm>>
        %dma_start3A_61 = tpu.memref_squeeze %dma_start3A_60 : memref<1x400x128xf32, #tpu.memory_space<hbm>> -> memref<400x128xf32, #tpu.memory_space<hbm>>
        %dma_start3A_62 = arith.constant 9600 : i32
        %dma_start3A_63 = arith.constant 0 : i32
        %dma_start3A_64 = tpu.memref_slice %arg12[%dma_start3A_62, %dma_start3A_63] : memref<10000x128xf32, #tpu.memory_space<vmem_shared>> -> memref<400x128xf32, #tpu.memory_space<vmem_shared>>
        tpu.enqueue_dma source(%dma_start3A_64 : memref<400x128xf32, #tpu.memory_space<vmem_shared>>) target(%dma_start3A_61 : memref<400x128xf32, #tpu.memory_space<hbm>>) target_semaphore(%run_scoped3A_57 : memref<!tpu.dma_semaphore, #tpu.memory_space<semaphore_mem>>)
        %dma_wait3A_65 = arith.constant 9600 : i32
        %dma_wait3A_66 = arith.constant 0 : i32
        %dma_wait3A_67 = tpu.memref_slice %arg6[%arg0, %dma_wait3A_65, %dma_wait3A_66] : memref<2x10000x128xf32, #tpu.memory_space<hbm>> -> memref<1x400x128xf32, #tpu.memory_space<hbm>>
        %dma_wait3A_68 = tpu.memref_squeeze %dma_wait3A_67 : memref<1x400x128xf32, #tpu.memory_space<hbm>> -> memref<400x128xf32, #tpu.memory_space<hbm>>
        %dma_wait3A_69 = arith.constant 9600 : i32
        %dma_wait3A_70 = arith.constant 0 : i32
        %dma_wait3A_71 = tpu.memref_slice %arg12[%dma_wait3A_69, %dma_wait3A_70] : memref<10000x128xf32, #tpu.memory_space<vmem_shared>> -> memref<400x128xf32, #tpu.memory_space<vmem_shared>>
        tpu.wait_dma2 semaphore(%run_scoped3A_57 : memref<!tpu.dma_semaphore, #tpu.memory_space<semaphore_mem>>) src(%dma_wait3A_71 : memref<400x128xf32, #tpu.memory_space<vmem_shared>>) dst(%dma_wait3A_68 : memref<400x128xf32, #tpu.memory_space<hbm>>)
        tpu.yield
      }) : () -> ()
    } else {
    }
    return
  }
}

module attributes {stable_mosaic.version = 14 : i64} {
  func.func @_pre_body(%arg0: i32, %arg1: memref<400x128xf32, #tpu.memory_space<vmem>>, %arg2: memref<128x128xf32, #tpu.memory_space<vmem>>, %arg3: memref<1x256xf32, #tpu.memory_space<vmem>>, %arg4: memref<400x128xf32, #tpu.memory_space<vmem>>, %arg5: memref<400x1xf32, #tpu.memory_space<vmem>>, %arg6: memref<400x1xf32, #tpu.memory_space<vmem>>) attributes {dimension_semantics = [#tpu.dimension_semantics<arbitrary>], iteration_bounds = array<i64: 25>, scalar_prefetch = 0 : i64, scratch_operands = 0 : i64, tpu.core_type = #tpu.core_type<tc>, window_params = [{transform_indices = @transform_0, window_bounds = array<i64: 400, 128>}, {pipeline_mode = #tpu.pipeline_mode<synchronous>, transform_indices = @transform_1, window_bounds = array<i64: 128, 128>}, {pipeline_mode = #tpu.pipeline_mode<synchronous>, transform_indices = @transform_2, window_bounds = array<i64: 1, 256>}, {transform_indices = @transform_3, window_bounds = array<i64: 400, 128>}, {transform_indices = @transform_4, window_bounds = array<i64: 400, 1>}, {transform_indices = @transform_5, window_bounds = array<i64: 400, 1>}]} {
    %get3A = arith.constant 0 : index
    %get3A_0 = arith.constant 0 : index
    %get3A_1 = vector.load %arg1[%get3A, %get3A_0] : memref<400x128xf32, #tpu.memory_space<vmem>>, vector<400x128xf32>
    %get3A_2 = arith.constant 0 : index
    %get3A_3 = arith.constant 0 : index
    %get3A_4 = vector.load %arg2[%get3A_2, %get3A_3] : memref<128x128xf32, #tpu.memory_space<vmem>>, vector<128x128xf32>
    %dot_general3A = arith.constant dense<0.000000e+00> : vector<400x128xf32>
    %dot_general3A_5 = tpu.matmul %get3A_1, %get3A_4, %dot_general3A {dimension_numbers = #tpu.dot_dimension_numbers<[1], [1], [0], [0], [0, 0, 1, 0], [], []>, transpose_lhs_hint = false} : vector<400x128xf32>, vector<128x128xf32>, vector<400x128xf32> -> vector<400x128xf32>
    %swap3A = arith.constant 0 : index
    %swap3A_6 = arith.constant 0 : index
    %swap3A_7 = vector.load %arg4[%swap3A, %swap3A_6] : memref<400x128xf32, #tpu.memory_space<vmem>>, vector<400x128xf32>
    tpu.vector_store %arg4[%swap3A, %swap3A_6], %dot_general3A_5 {strides = array<i32>} : memref<400x128xf32, #tpu.memory_space<vmem>>, vector<400x128xf32>,
    %get3A_8 = arith.constant 0 : index
    %get3A_9 = arith.constant 0 : index
    %get3A_10 = vector.load %arg3[%get3A_8, %get3A_9] : memref<1x256xf32, #tpu.memory_space<vmem>>, vector<1x256xf32>
    %slice3A = vector.extract_strided_slice %get3A_10 {offsets = [0, 0], sizes = [1, 128], strides = [1, 1]} : vector<1x256xf32> to vector<1x128xf32>
    %dot_general3A_11 = arith.constant dense<0.000000e+00> : vector<400x1xf32>
    %dot_general3A_12 = tpu.matmul %dot_general3A_5, %slice3A, %dot_general3A_11 {dimension_numbers = #tpu.dot_dimension_numbers<[1], [1], [0], [0], [0, 0, 1, 0], [], []>, transpose_lhs_hint = false} : vector<400x128xf32>, vector<1x128xf32>, vector<400x1xf32> -> vector<400x1xf32>
    %swap3A_13 = arith.constant 0 : index
    %swap3A_14 = arith.constant 0 : index
    %swap3A_15 = vector.load %arg5[%swap3A_13, %swap3A_14] : memref<400x1xf32, #tpu.memory_space<vmem>>, vector<400x1xf32>
    tpu.vector_store %arg5[%swap3A_13, %swap3A_14], %dot_general3A_12 {strides = array<i32>} : memref<400x1xf32, #tpu.memory_space<vmem>>, vector<400x1xf32>,
    %slice3A_16 = vector.extract_strided_slice %get3A_10 {offsets = [0, 128], sizes = [1, 128], strides = [1, 1]} : vector<1x256xf32> to vector<1x128xf32>
    %dot_general3A_17 = arith.constant dense<0.000000e+00> : vector<400x1xf32>
    %dot_general3A_18 = tpu.matmul %dot_general3A_5, %slice3A_16, %dot_general3A_17 {dimension_numbers = #tpu.dot_dimension_numbers<[1], [1], [0], [0], [0, 0, 1, 0], [], []>, transpose_lhs_hint = false} : vector<400x128xf32>, vector<1x128xf32>, vector<400x1xf32> -> vector<400x1xf32>
    %swap3A_19 = arith.constant 0 : index
    %swap3A_20 = arith.constant 0 : index
    %swap3A_21 = vector.load %arg6[%swap3A_19, %swap3A_20] : memref<400x1xf32, #tpu.memory_space<vmem>>, vector<400x1xf32>
    tpu.vector_store %arg6[%swap3A_19, %swap3A_20], %dot_general3A_18 {strides = array<i32>} : memref<400x1xf32, #tpu.memory_space<vmem>>, vector<400x1xf32>,
    return
  }
  func.func @transform_0(%arg0: i32) -> (i32, i32) {
    %c0_i32 = arith.constant 0 : i32
    %c0_i32_0 = arith.constant 0 : i32
    return %arg0, %c0_i32 : i32, i32
  }
  func.func @transform_1(%arg0: i32) -> (i32, i32) {
    %c0_i32 = arith.constant 0 : i32
    %c0_i32_0 = arith.constant 0 : i32
    %c0_i32_1 = arith.constant 0 : i32
    return %c0_i32, %c0_i32_0 : i32, i32
  }
  func.func @transform_2(%arg0: i32) -> (i32, i32) {
    %c0_i32 = arith.constant 0 : i32
    %c0_i32_0 = arith.constant 0 : i32
    %c0_i32_1 = arith.constant 0 : i32
    return %c0_i32, %c0_i32_0 : i32, i32
  }
  func.func @transform_3(%arg0: i32) -> (i32, i32) {
    %c0_i32 = arith.constant 0 : i32
    %c0_i32_0 = arith.constant 0 : i32
    return %arg0, %c0_i32 : i32, i32
  }
  func.func @transform_4(%arg0: i32) -> (i32, i32) {
    %c0_i32 = arith.constant 0 : i32
    %c0_i32_0 = arith.constant 0 : i32
    return %arg0, %c0_i32 : i32, i32
  }
  func.func @transform_5(%arg0: i32) -> (i32, i32) {
    %c0_i32 = arith.constant 0 : i32
    %c0_i32_0 = arith.constant 0 : i32
    return %arg0, %c0_i32 : i32, i32
  }
}

module attributes {stable_mosaic.version = 14 : i64} {
  func.func @_post_body(%arg0: i32, %arg1: memref<400x128xf32, #tpu.memory_space<vmem>>, %arg2: memref<1x400x128xf32, #tpu.memory_space<vmem>>, %arg3: memref<1x400x128xf32, #tpu.memory_space<vmem>>, %arg4: memref<1x400x1xf32, #tpu.memory_space<vmem>>, %arg5: memref<1x400x1xf32, #tpu.memory_space<vmem>>, %arg6: memref<1x128xf32, #tpu.memory_space<vmem>>, %arg7: memref<1x128xf32, #tpu.memory_space<vmem>>, %arg8: memref<400x128xf32, #tpu.memory_space<vmem>>) attributes {dimension_semantics = [#tpu.dimension_semantics<arbitrary>], iteration_bounds = array<i64: 25>, scalar_prefetch = 0 : i64, scratch_operands = 0 : i64, tpu.core_type = #tpu.core_type<tc>, window_params = [{transform_indices = @transform_0, window_bounds = array<i64: 400, 128>}, {transform_indices = @transform_1, window_bounds = array<i64: 1, 400, 128>}, {transform_indices = @transform_2, window_bounds = array<i64: 1, 400, 128>}, {transform_indices = @transform_3, window_bounds = array<i64: 1, 400, 1>}, {transform_indices = @transform_4, window_bounds = array<i64: 1, 400, 1>}, {pipeline_mode = #tpu.pipeline_mode<synchronous>, transform_indices = @transform_5, window_bounds = array<i64: 1, 128>}, {pipeline_mode = #tpu.pipeline_mode<synchronous>, transform_indices = @transform_6, window_bounds = array<i64: 1, 128>}, {transform_indices = @transform_7, window_bounds = array<i64: 400, 128>}]} {
    %get3A = arith.constant 0 : index
    %get3A_0 = arith.constant 0 : index
    %get3A_1 = arith.constant 0 : index
    %get3A_2 = vector.load %arg4[%get3A, %get3A_0, %get3A_1] : memref<1x400x1xf32, #tpu.memory_space<vmem>>, vector<1x400x1xf32>
    %get3A_3 = vector.shape_cast %get3A_2 : vector<1x400x1xf32> to vector<400x1xf32>
    %get3A_4 = arith.constant 0 : index
    %get3A_5 = arith.constant 0 : index
    %get3A_6 = arith.constant 0 : index
    %get3A_7 = vector.load %arg5[%get3A_4, %get3A_5, %get3A_6] : memref<1x400x1xf32, #tpu.memory_space<vmem>>, vector<1x400x1xf32>
    %get3A_8 = vector.shape_cast %get3A_7 : vector<1x400x1xf32> to vector<400x1xf32>
    %add3A = arith.addf %get3A_3, %get3A_8 : vector<400x1xf32>
    %add3A_9 = arith.constant 1.000000e-16 : f32
    %add3A_10 = vector.broadcast %add3A_9 : f32 to vector<400x1xf32>
    %add3A_11 = arith.addf %add3A, %add3A_10 : vector<400x1xf32>
    %get3A_12 = arith.constant 0 : index
    %get3A_13 = arith.constant 0 : index
    %get3A_14 = arith.constant 0 : index
    %get3A_15 = vector.load %arg2[%get3A_12, %get3A_13, %get3A_14] : memref<1x400x128xf32, #tpu.memory_space<vmem>>, vector<1x400x128xf32>
    %get3A_16 = vector.shape_cast %get3A_15 : vector<1x400x128xf32> to vector<400x128xf32>
    %get3A_17 = arith.constant 0 : index
    %get3A_18 = arith.constant 0 : index
    %get3A_19 = arith.constant 0 : index
    %get3A_20 = vector.load %arg3[%get3A_17, %get3A_18, %get3A_19] : memref<1x400x128xf32, #tpu.memory_space<vmem>>, vector<1x400x128xf32>
    %get3A_21 = vector.shape_cast %get3A_20 : vector<1x400x128xf32> to vector<400x128xf32>
    %add3A_22 = arith.addf %get3A_16, %get3A_21 : vector<400x128xf32>
    %div3A = vector.broadcast %add3A_11 : vector<400x1xf32> to vector<400x128xf32>
    %div3A_23 = arith.divf %add3A_22, %div3A : vector<400x128xf32>
    %get3A_24 = arith.constant 0 : index
    %get3A_25 = arith.constant 0 : index
    %get3A_26 = vector.load %arg1[%get3A_24, %get3A_25] : memref<400x128xf32, #tpu.memory_space<vmem>>, vector<400x128xf32>
    %add3A_27 = arith.addf %div3A_23, %get3A_26 : vector<400x128xf32>
    %reduce_sum3A = arith.constant dense<0.000000e+00> : vector<400xf32>
    %reduce_sum3A_28 = vector.multi_reduction <add>, %add3A_27, %reduce_sum3A [1] : vector<400x128xf32> to vector<400xf32>
    %broadcast_in_dim3A = vector.shape_cast %reduce_sum3A_28 : vector<400xf32> to vector<400x1xf32>
    %div3A_29 = arith.constant 1.280000e+02 : f32
    %div3A_30 = vector.broadcast %div3A_29 : f32 to vector<400x1xf32>
    %div3A_31 = arith.divf %broadcast_in_dim3A, %div3A_30 : vector<400x1xf32>
    %sub3A = vector.broadcast %div3A_31 : vector<400x1xf32> to vector<400x128xf32>
    %sub3A_32 = arith.subf %add3A_27, %sub3A : vector<400x128xf32>
    %mul3A = arith.mulf %sub3A_32, %sub3A_32 : vector<400x128xf32>
    %reduce_sum3A_33 = arith.constant dense<0.000000e+00> : vector<400xf32>
    %reduce_sum3A_34 = vector.multi_reduction <add>, %mul3A, %reduce_sum3A_33 [1] : vector<400x128xf32> to vector<400xf32>
    %broadcast_in_dim3A_35 = vector.shape_cast %reduce_sum3A_34 : vector<400xf32> to vector<400x1xf32>
    %div3A_36 = arith.constant 1.280000e+02 : f32
    %div3A_37 = vector.broadcast %div3A_36 : f32 to vector<400x1xf32>
    %div3A_38 = arith.divf %broadcast_in_dim3A_35, %div3A_37 : vector<400x1xf32>
    %add3A_39 = arith.constant 9.99999974E-6 : f32
    %add3A_40 = vector.broadcast %add3A_39 : f32 to vector<400x1xf32>
    %add3A_41 = arith.addf %div3A_38, %add3A_40 : vector<400x1xf32>
    %rsqrt3A = math.rsqrt %add3A_41 : vector<400x1xf32>
    %mul3A_42 = vector.broadcast %rsqrt3A : vector<400x1xf32> to vector<400x128xf32>
    %mul3A_43 = arith.mulf %sub3A_32, %mul3A_42 : vector<400x128xf32>
    %get3A_44 = arith.constant 0 : index
    %get3A_45 = arith.constant 0 : index
    %get3A_46 = vector.load %arg6[%get3A_44, %get3A_45] : memref<1x128xf32, #tpu.memory_space<vmem>>, vector<1x128xf32>
    %mul3A_47 = vector.broadcast %get3A_46 : vector<1x128xf32> to vector<400x128xf32>
    %mul3A_48 = arith.mulf %mul3A_43, %mul3A_47 : vector<400x128xf32>
    %get3A_49 = arith.constant 0 : index
    %get3A_50 = arith.constant 0 : index
    %get3A_51 = vector.load %arg7[%get3A_49, %get3A_50] : memref<1x128xf32, #tpu.memory_space<vmem>>, vector<1x128xf32>
    %add3A_52 = vector.broadcast %get3A_51 : vector<1x128xf32> to vector<400x128xf32>
    %add3A_53 = arith.addf %mul3A_48, %add3A_52 : vector<400x128xf32>
    %swap3A = arith.constant 0 : index
    %swap3A_54 = arith.constant 0 : index
    %swap3A_55 = vector.load %arg8[%swap3A, %swap3A_54] : memref<400x128xf32, #tpu.memory_space<vmem>>, vector<400x128xf32>
    tpu.vector_store %arg8[%swap3A, %swap3A_54], %add3A_53 {strides = array<i32>} : memref<400x128xf32, #tpu.memory_space<vmem>>, vector<400x128xf32>,
    return
  }
  func.func @transform_0(%arg0: i32) -> (i32, i32) {
    %c0_i32 = arith.constant 0 : i32
    %c0_i32_0 = arith.constant 0 : i32
    return %arg0, %c0_i32 : i32, i32
  }
  func.func @transform_1(%arg0: i32) -> (i32, i32, i32) {
    %c0_i32 = arith.constant 0 : i32
    %c0_i32_0 = arith.constant 0 : i32
    %c0_i32_1 = arith.constant 0 : i32
    return %c0_i32, %arg0, %c0_i32_0 : i32, i32, i32
  }
  func.func @transform_2(%arg0: i32) -> (i32, i32, i32) {
    %c1_i32 = arith.constant 1 : i32
    %c0_i32 = arith.constant 0 : i32
    %c0_i32_0 = arith.constant 0 : i32
    return %c1_i32, %arg0, %c0_i32 : i32, i32, i32
  }
  func.func @transform_3(%arg0: i32) -> (i32, i32, i32) {
    %c0_i32 = arith.constant 0 : i32
    %c0_i32_0 = arith.constant 0 : i32
    %c0_i32_1 = arith.constant 0 : i32
    return %c0_i32, %arg0, %c0_i32_0 : i32, i32, i32
  }
  func.func @transform_4(%arg0: i32) -> (i32, i32, i32) {
    %c1_i32 = arith.constant 1 : i32
    %c0_i32 = arith.constant 0 : i32
    %c0_i32_0 = arith.constant 0 : i32
    return %c1_i32, %arg0, %c0_i32 : i32, i32, i32
  }
  func.func @transform_5(%arg0: i32) -> (i32, i32) {
    %c0_i32 = arith.constant 0 : i32
    %c0_i32_0 = arith.constant 0 : i32
    %c0_i32_1 = arith.constant 0 : i32
    return %c0_i32, %c0_i32_0 : i32, i32
  }
  func.func @transform_6(%arg0: i32) -> (i32, i32) {
    %c0_i32 = arith.constant 0 : i32
    %c0_i32_0 = arith.constant 0 : i32
    %c0_i32_1 = arith.constant 0 : i32
    return %c0_i32, %c0_i32_0 : i32, i32
  }
  func.func @transform_7(%arg0: i32) -> (i32, i32) {
    %c0_i32 = arith.constant 0 : i32
    %c0_i32_0 = arith.constant 0 : i32
    return %arg0, %c0_i32 : i32, i32
  }
}

</mosaic_0001>

<sc_bundles>
// kernel: kernel.6.cloned.1.call-start
scs
__scs_entry_jumppad:
0x0: {  	(pc) =	sbr.rel $0x88, $3  }
0x1: {  	(tag) =	ssettag $0x0;
	lr =	simm.s32 $0x1  }
0x2: {  	[smem:$0x3F9B] =	sst lr;
	_ =	strace $0xD0000000  }
0x3: {  	_ = 	snop  }
0x4: {  	_ = 	snop  }
0x5: {  	_ = 	snop  }
0x6: {  	_ = 	snop  }
0x7: {  	_ = 	snop  }
__scs_overlays_trampoline_lowered:
0x8: {  	[smem:$0x3FAA] =	sst s0  }
0x9: {  	[smem:$0x3FAB] =	sst s1  }
0xa: {  	[smem:$0x3FAC] =	sst s2  }
0xb: {  	[smem:$0x3FAD] =	sst s3  }
0xc: {  	[smem:$0x3FAE] =	sst s4  }
0xd: {  	[smem:$0x3FAF] =	sst s5  }
0xe: {  	[smem:$0x3FB0] =	sst s6  }
0xf: {  	[smem:$0x3FB1] =	sst s7  }
0x10: {  	[smem:$0x3FB2] =	sst s8  }
0x11: {  	[smem:$0x3FB3] =	sst s9;
	s0 =	simm.s32 @!p0 $0x0  }
0x12: {  	s1 =	sld [smem:$0x3F99];
	s0 =	simm.s32 @p0 $0x1  }
0x13: {  	[smem:$0x3FB4] =	sst s0;
	s0 =	simm.s32 @!p1 $0x0  }
0x14: {  	s2 =	sld [smem:$0x3F98];
	s0 =	simm.s32 @p1 $0x1  }
0x15: {  	[smem:$0x3FB5] =	sst s0;
	s0 =	simm.s32 @!p2 $0x0  }
0x16: {  	s3 =	sld [smem:$0x3FDB];
	s0 =	simm.s32 @p2 $0x1  }
0x17: {  	s4 =	simm.s32 $0x1BF5;
	[smem:$0x3FB7] =	sst s0  }
0x18: {  	s0 =	sld [smem:$0x3F9A];
	_ =	swait.ge [sflag:s4], $0x0  }
0x19: {  	s7 =	sld [smem:$0x3F9B]  }
0x1a: {  	s8 =	sadd.s32 $0xFFFFE003, lr  }
0x1b: {  	s9 =	sadd.s32 $0xFFFFFEF7, lr;
	s5 =	simm.s32 $0xFFFFFFFF;
	p2 =	slt.u32 s8, $0xFFFFF086  }
0x1c: {  	p1 =	slt.u32 s9, $0xF7A;
	s5 =	simm.s32 @!p2 $0x0  }
0x1d: {  	s5 =	simm.s32 @p1 $0x1;
	p0 =	seq.s32 s7, s2  }
0x1e: {  	s7 =	smul.u32 @!p0 $0xF7A, s2;
	p2 =	seq.s32 @!p0 s5, $0x0  }
0x1f: {  	s9 =	smul.u32 $0xF7A, s1;
	s8 =	simm.s32 @!p0 $0x1BF5;
	p2 =	por !p2, p0  }
0x20: {  	[sflag:s8] =	ssyncset.s32 @!p0 $0xFFFFF086;
	s6 =	sadd.s32 @!p0 s3, s7;
	s7 =	simm.s32 @!p0 $0x108  }
0x21: {  	s3 =	sadd.s32 s3, s9;
	s6 =	sadd.s32 @!p0 $0x88, s6;
	s7 =	simm.s32 @p2 $0x1082  }
0x22: {  	[simem:s7], [sflag:s8] =	dma.local @!p0 [hbm:s6], $0xF7A  }
0x23: {  	s9 =	sor.u32 $0xD0000000, s2;
	s6 =	simm.s32 $0x108;
	_ =	swait.ge @!p0 [sflag:s8], $0x0  }
0x24: {  	s3 =	sadd.s32 $0x88, s3;
	s6 =	simm.s32 @!p1 $0x1082;
	[sflag:s4] =	ssyncset.s32 $0xFFFFF086  }
0x25: {  	[simem:s6], [sflag:s4] =	dma.local [hbm:s3], $0xF7A  }
0x26: {  	[smem:$0x3F9B] =	sst s1;
	(tag) =	ssettag s2;
	_ =	strace s9  }
0x27: {  	s1 =	sld [smem:$0x3FAB]  }
0x28: {  	s2 =	sld [smem:$0x3FAC]  }
0x29: {  	s4 =	sld [smem:$0x3FAE]  }
0x2a: {  	p0 =	seq.s32 s5, $0x0;
	s5 =	sld [smem:$0x3FAF]  }
0x2b: {  	s6 =	sld [smem:$0x3FB0]  }
0x2c: {  	s7 =	sld [smem:$0x3FB1]  }
0x2d: {  	s3 =	simm.s32 $0x108;
	s8 =	sld [smem:$0x3FB2]  }
0x2e: {  	s3 =	simm.s32 @!p0 $0x1082;
	s9 =	sld [smem:$0x3FB3]  }
0x2f: {  	lr =	sadd.s32 s0, s3;
	s0 =	sld [smem:$0x3FAA]  }
0x30: {  	s3 =	sld [smem:$0x3FAD]  }
0x31: {  	[smem:$0x3FB6] =	sst s10  }
0x32: {  	s10 =	sld [smem:$0x3FB4];
	_ =	sdelay $0x3  }
0x33: {  	p0 =	seq.s32 s10, $0x1;
	s10 =	sld [smem:$0x3FB6];
	_ =	sdelay $0x3  }
0x34: {  	[smem:$0x3FB6] =	sst s10  }
0x35: {  	s10 =	sld [smem:$0x3FB5];
	_ =	sdelay $0x3  }
0x36: {  	p1 =	seq.s32 s10, $0x1;
	s10 =	sld [smem:$0x3FB6];
	_ =	sdelay $0x3  }
0x37: {  	[smem:$0x3FB6] =	sst s10  }
0x38: {  	s10 =	sld [smem:$0x3FB7]  }
0x39: {  	_ = 	snop;
	(pc) =	sbr.ind lr, $3  }
0x3a: {  	_ = 	snop  }
0x3b: {  	_ = 	snop  }
0x3c: {  	p2 =	seq.s32 s10, $0x1;
	s10 =	sld [smem:$0x3FB6]  }
0x3d: {  	_ =	shalt  }
0x3e: {  	_ =	shalt  }
0x3f: {  	_ =	shalt  }
0x40: {  	_ =	shalt  }
0x41: {  	_ =	shalt  }
0x42: {  	_ =	shalt  }
0x43: {  	_ =	shalt  }
0x44: {  	_ =	shalt  }
0x45: {  	_ =	shalt  }
0x46: {  	_ =	shalt  }
0x47: {  	_ =	shalt  }
0x48: {  	_ =	shalt  }
0x49: {  	_ =	shalt  }
0x4a: {  	_ =	shalt  }
0x4b: {  	_ =	shalt  }
0x4c: {  	_ =	shalt  }
0x4d: {  	_ =	shalt  }
0x4e: {  	_ =	shalt  }
0x4f: {  	_ =	shalt  }
0x50: {  	_ =	shalt  }
0x51: {  	_ =	shalt  }
0x52: {  	_ =	shalt  }
0x53: {  	_ =	shalt  }
0x54: {  	_ =	shalt  }
0x55: {  	_ =	shalt  }
0x56: {  	_ =	shalt  }
0x57: {  	_ =	shalt  }
0x58: {  	_ =	shalt  }
0x59: {  	_ =	shalt  }
0x5a: {  	_ =	shalt  }
0x5b: {  	_ =	shalt  }
0x5c: {  	_ =	shalt  }
0x5d: {  	_ =	shalt  }
0x5e: {  	_ =	shalt  }
0x5f: {  	_ =	shalt  }
0x60: {  	_ =	shalt  }
0x61: {  	_ =	shalt  }
0x62: {  	_ =	shalt  }
0x63: {  	_ =	shalt  }
0x64: {  	_ =	shalt  }
0x65: {  	_ =	shalt  }
0x66: {  	_ =	shalt  }
0x67: {  	_ =	shalt  }
0x68: {  	_ =	shalt  }
0x69: {  	_ =	shalt  }
0x6a: {  	_ =	shalt  }
0x6b: {  	_ =	shalt  }
0x6c: {  	_ =	shalt  }
0x6d: {  	_ =	shalt  }
0x6e: {  	_ =	shalt  }
0x6f: {  	_ =	shalt  }
0x70: {  	_ =	shalt  }
0x71: {  	_ =	shalt  }
0x72: {  	_ =	shalt  }
0x73: {  	_ =	shalt  }
0x74: {  	_ =	shalt  }
0x75: {  	_ =	shalt  }
0x76: {  	_ =	shalt  }
0x77: {  	_ =	shalt  }
0x78: {  	_ =	shalt  }
0x79: {  	_ =	shalt  }
0x7a: {  	_ =	shalt  }
0x7b: {  	_ =	shalt  }
0x7c: {  	_ =	shalt  }
0x7d: {  	_ =	shalt  }
0x7e: {  	_ =	shalt  }
0x7f: {  	_ =	shalt  }
0x80: {  	_ =	shalt  }
0x81: {  	_ =	shalt  }
0x82: {  	_ =	shalt  }
0x83: {  	_ =	shalt  }
0x84: {  	_ =	shalt  }
0x85: {  	_ =	shalt  }
0x86: {  	_ =	shalt  }
0x87: {  	_ =	shalt  }
.Lfunc_end0:
.L_simem_size_0:
called_computation_lowered:
.L_overlay_start_0:
0x88: {  	s2 =	sld [smem:$0x3FD9]  }
0x89: {  	s3 =	sld [smem:$0x3FFE];
	_ =	sdelay $0x1  }
0x8a: {  	s1 =	srdreg.scid  }
0x8b: {  	s0 =	sand.u32 $0x1, s1  }
0x8c: {  	s16 =	sshll.u32 s0, $0xA;
	s2 =	sadd.s32 s3, s2  }
0x8d: {  	s2 =	sadd.s32 s2, s16  }
0x8e: {  	[smem:$0x3FC2] =	sst s2  }
0x8f: {  	_ = 	snop  }
0x90: {  	(tm) =	ssettm $0x1  }
0x91: {  	s17 =	sld [smem:$0x3FFB];
	_ =	sdelay $0x3  }
0x92: {  	_ =	strace s17  }
0x93: {  	s2 =	sld [smem:$0x3FFC];
	_ =	sdelay $0x3  }
0x94: {  	_ =	strace s2  }
0x95: {  	s2 =	sld [smem:$0x3FFD];
	_ =	sdelay $0x3  }
0x96: {  	_ =	strace s2  }
0x97: {  	_ =	strace $0x8FFFFFFF  }
0x98: {  	s18 =	sld [smem:$0x3FDB];
	_ =	sdelay $0x1  }
0x99: {  	s19 =	simm.s32 $_scs_section_size  }
0x9a: {  	s4 =	simm.s32 $_size__tile_overlayer_lowered;
	s5 =	simm.s32 $_tile_overlayer_lowered  }
0x9b: {  	s22 =	simm.s32 $0x1BFF;
	s21 =	sshll.u32 s5, $0x1;
	s2 =	sadd.s32 s19, s18  }
0x9c: {  	s6 =	simm.s32 $0x0;
	s20 =	sshll.u32 s4, $0x1;
	s4 =	sadd.s32 s21, s2  }
0x9d: {  	[timem:s6], [sflag:s22] =	dma.local [hbm:s4], s20  }
0x9e: {  	_ =	swait.ge [sflag:s22], s20  }
0x9f: {  	s3 =	ssub.s32 $0x0, s20;
	[sflag:s22] =	ssyncset.done $0x0  }
0xa0: {  	[sflag:s22] =	ssyncadd.s32 s3;
	_ =	sdelay $0x1  }
0xa1: {  	s23 =	simm.s32 $0x1B8B  }
0xa2: {  	_ =	swait.ge [sflag:s23], $0x1  }
0xa3: {  	[sflag:s23] =	ssyncset.done $0x0  }
0xa4: {  	s25 =	simm.s32 $0x1B8E;
	s24 =	sld [smem:$0x3FFE];
	[sflag:s23] =	ssyncadd.s32 $0xFFFFFFFF  }
0xa5: {  	s26 =	simm.s32 $execute0_lowered;
	[smem:$0x3FD2] =	sst s25  }
0xa6: {  	s4 =	sshll.u32 s26, $0x1;
	_ =	strace $0x80000046;
	[dreg:$0x1] =	wrdreg $0xFFFFFFFF  }
0xa7: {  	s28 =	simm.s32 $_size_execute0_lowered;
	s2 =	sadd.s32 s2, s4;
	[dreg:$0x0] =	wrdreg $0x0  }
0xa8: {  	s4 =	sshll.u32 s28, $0x1;
	[dreg:$0x2] =	wrdreg s2  }
0xa9: {  	[dreg:$0x3] =	wrdreg s4  }
0xaa: {  	[dreg:$0x4] =	wrdreg $0xC0  }
0xab: {  	_ =	task [dreg:s6], $0x5FFFF  }
0xac: {  	[dreg:$0x1] =	wrdreg $0xFFFFFFFF  }
0xad: {  	[dreg:$0x0] =	wrdreg $0x60  }
0xae: {  	[dreg:$0x2] =	wrdreg s24  }
0xaf: {  	[dreg:$0x3] =	wrdreg $0xC3500  }
0xb0: {  	[dreg:$0x4] =	wrdreg $0x9  }
0xb1: {  	_ =	task.clear_ibuf [dreg:s6], $0x5FFFF;
	_ =	strace $0x90000046  }
0xb2: {  	s29 =	simm.s32 $0x9;
	_ =	strace $0x80000048  }
0xb3: {  	_ =	swait.ge [sflag:s29], $0x1  }
0xb4: {  	[sflag:s29] =	ssyncadd.s32 $0xFFFFFFFF  }
0xb5: {  	_ =	strace $0x90000048  }
0xb6: {  	_ =	sfence  }
0xb7: {  	s30 =	sld [smem:$0x0];
	_ =	sdelay $0x2  }
0xb8: {  	s31 =	sshll.u32 s1, $0xD;
	s1 =	sshrl.u32 s1, $0x2  }
0xb9: {  	s3 =	sand.u32 $0x4000, s31;
	s1 =	sadd.s32 s1, s30  }
0xba: {  	s0 =	sor.u32 s3, s0;
	s1 =	sshll.u32 s1, $0x11  }
0xbb: {  	s0 =	sor.u32 s1, s0  }
0xbc: {  	s0 =	sadd.s32 $0x8F2B, s0  }
0xbd: {  	[sflag:s0] =	ssyncadd.remote.s32 $0x1  }
0xbe: {  	_ =	sfence.sel $0xFFFF  }
0xbf: {  	[dreg:$0x0] =	wrdreg $0xFFFFFFFF;
	(pc) =	sbr.abs _section_cstart, $3  }
0xc0: {  	[dreg:$0x1] =	wrdreg $0xFFFFFFFF  }
0xc1: {  	_ =	task.clear_ibuf [dreg:s6], $0x2FFFF;
	_ =	strace $0x9FFFFFFF  }
0xc2: {  	(tm) =	ssettm $0x7FFFFFFF  }
0xc3: {  	_ =	shalt  }
tec
execute0_lowered:
.L_overlay_start_1:
0x0: {  	(tag) =	ssettag $0x1  }
0x1: {  	s0 =	srdreg.scid;
	s5 =	rddreg [dreg:$0x0]  }
0x2: {  	s17 =	stileid.u32;
	s1 =	rddreg [dreg:$0x1]  }
0x3: {  	s2 =	simm.s32 $0x0;
	s13 =	simm.s32 $0x1;
	s14 =	simm.s32 $0x7530  }
0x4: {  	s15 =	simm.s32 $0x2710;
	s16 =	simm.s32 $0x50;
	s19 =	simm.s32 $0x0  }
0x5: {  	s23 =	simm.s32 $0x0;
	s6 =	sand.u32 $0x1, s0;
	s0 =	rddreg [dreg:$0x2]  }
0x6: {  	s29 =	sshll.u32 s17, $0x1;
	[smem:$0x7FF] =	sst s2;
	s9 =	smul.u32 $0xA00, s17  }
0x7: {  	s4 =	sadd.s32 $0x1400, s5;
	p1 =	seq.s32 s17, $0xF;
	p0 =	sne.s32 s17, $0x0  }
0x8: {  	s17 =	simm.s32 $0x9C40;
	s3 =	sor.u32 s6, s29;
	s8 =	smul.u32 $0x4E2, s6  }
0x9: {  	_ =	strace $0x80000047;
	s6 =	ssub.s32 $0x2, s6;
	s18 =	sshrl.u32 @!p0 s1, $0x3  }
0xa: {  	s7 =	smul.u32 $0x4E2, s3;
	s3 =	sadd.s32 $0x1A00, s5;
	s30 =	sshrl.u32 s6, $0x1  }
0xb: {  	s31 =	sshrl.u32 s9, $0x2;
	s11 =	sadd.s32 s8, s5;
	s12 =	ssub.s32 s6, s30  }
0xc: {  	s6 =	sadd.s32 $0x2580, s1;
	s10 =	sadd.s32 s7, s5;
	s5 =	sadd.s32 s31, s1  }
0xd: {  	s7 =	sadd.s32 $0xBE00, s10;
	s8 =	sadd.s32 $0x2000, s10;
	s9 =	sadd.s32 $0x16600, s10  }
0xe: {  	v0 =	vimm.f32 $0.0e+00;
	v1 =	vlaneseq.u32;
	v2 =	vimm.s32 $0x0;
	s10 =	sadd.s32 $0x15C00, s11;
	s11 =	smax.u32 s12, $0x1;
	s12 =	simm.s32 $0x4E20  }
.LBB2_1:
0xf: {  	[tilespmem:$0x4E20] =	vst v0  }
0x10: {  	[tilespmem:$0x4E30] =	vst v0  }
0x11: {  	[tilespmem:$0x4E40] =	vst v0  }
0x12: {  	[tilespmem:$0x4E50] =	vst v0  }
0x13: {  	[tilespmem:$0x4E60] =	vst v0  }
0x14: {  	[tilespmem:$0x4E70] =	vst v0  }
0x15: {  	[tilespmem:$0x4E80] =	vst v0  }
0x16: {  	[tilespmem:$0x4E90] =	vst v0  }
0x17: {  	[tilespmem:$0x4EA0] =	vst v0  }
0x18: {  	[tilespmem:$0x4EB0] =	vst v0  }
0x19: {  	[tilespmem:$0x4EC0] =	vst v0  }
0x1a: {  	[tilespmem:$0x4ED0] =	vst v0  }
0x1b: {  	[tilespmem:$0x4EE0] =	vst v0  }
0x1c: {  	[tilespmem:$0x4EF0] =	vst v0  }
0x1d: {  	[tilespmem:$0x4F00] =	vst v0  }
0x1e: {  	[tilespmem:$0x4F10] =	vst v0  }
0x1f: {  	[tilespmem:$0x4F20] =	vst v0  }
0x20: {  	[tilespmem:$0x4F30] =	vst v0  }
0x21: {  	[tilespmem:$0x4F40] =	vst v0  }
0x22: {  	[tilespmem:$0x4F50] =	vst v0  }
0x23: {  	[tilespmem:$0x4F60] =	vst v0  }
0x24: {  	[tilespmem:$0x4F70] =	vst v0  }
0x25: {  	[tilespmem:$0x4F80] =	vst v0  }
0x26: {  	[tilespmem:$0x4F90] =	vst v0  }
0x27: {  	[tilespmem:$0x4FA0] =	vst v0  }
0x28: {  	[tilespmem:$0x4FB0] =	vst v0  }
0x29: {  	[tilespmem:$0x4FC0] =	vst v0  }
0x2a: {  	[tilespmem:$0x4FD0] =	vst v0  }
0x2b: {  	[tilespmem:$0x4FE0] =	vst v0  }
0x2c: {  	[tilespmem:$0x4FF0] =	vst v0  }
0x2d: {  	[tilespmem:$0x5000] =	vst v0  }
0x2e: {  	[tilespmem:$0x5010] =	vst v0  }
0x2f: {  	[tilespmem:$0x5020] =	vst v0  }
0x30: {  	[tilespmem:$0x5030] =	vst v0  }
0x31: {  	[tilespmem:$0x5040] =	vst v0  }
0x32: {  	[tilespmem:$0x5050] =	vst v0  }
0x33: {  	[tilespmem:$0x5060] =	vst v0  }
0x34: {  	[tilespmem:$0x5070] =	vst v0  }
0x35: {  	[tilespmem:$0x5080] =	vst v0  }
0x36: {  	[tilespmem:$0x5090] =	vst v0;
	s20 =	simm.s32 @p1 $0x4E20  }
0x37: {  	[spmem:s6] =	stream.linear.scatter @p1 [tilespmem:s20], [sflag:$0x1], $0x190, $0x38;
	[tilespmem:$0xC5C8] =	vst v63  }
0x38: {  	s20 =	simm.s32 @p1 $0x1  }
0x39: {  	_ =	swait.ge @p1 [sflag:s20], $0x190  }
0x3a: {  	[sflag:s20] =	ssyncset.done @p1 $0x0  }
0x3b: {  	[sflag:s20] =	ssyncadd.s32 @p1 $0xFFFFFE70;
	s20 =	simm.s32 @!p1 $0x4E20  }
0x3c: {  	[spmem:s5] =	stream.linear.scatter @!p1 [tilespmem:s20], [sflag:$0x1], $0x280, $0x38;
	[tilespmem:$0xC5C8] =	vst v63  }
0x3d: {  	s20 =	simm.s32 @!p1 $0x1  }
0x3e: {  	_ =	swait.ge @!p1 [sflag:s20], $0x280  }
0x3f: {  	v3 =	vor.u32 s2, v1;
	[sflag:s20] =	ssyncset.done @!p1 $0x0  }
0x40: {  	v4 =	vmulhi.u32 $0xCCCCCCCD, v3;
	[sflag:s20] =	ssyncadd.s32 @!p1 $0xFFFFFD80  }
0x41: {  	[tilespmem:s12], [sflag:$0x1] =	stream.linear.gather [hbm4b:s3+s2], $0x2710, $0x38;
	[tilespmem:$0xC5C8] =	vst v63  }
0x42: {  	v4 =	vshrl.u32 v4, $0x6;
	_ =	swait.ge [sflag:s13], $0x2710  }
0x43: {  	v4 =	vmul.u32 $0x50, v4;
	[sflag:s13] =	ssyncset.done $0x0  }
0x44: {  	[sflag:s13] =	ssyncadd.s32 $0xFFFFD8F0  }
0x45: {  	v5 =	vmov s2;
	v3 =	vsub.s32 v3, v4;
	[tilespmem:s14], [sflag:$0x1] =	stream.linear.gather [hbm4b:s4+s2], $0x2710, $0x38;
	[tilespmem:$0xC5C8] =	vst v63  }
0x46: {  	vm0 =	veq.s32 v5, v1;
	v4 =	vmulhi.u32 $0xCCCCCCCD, v5;
	vm1 =	vne.s32 v3, $0x0;
	_ =	swait.ge [sflag:s13], $0x2710  }
0x47: {  	vm0 =	vmand vm0, vm1;
	[sflag:s13] =	ssyncset.done $0x0  }
0x48: {  	v4 =	vshrl.u32 v4, $0x6;
	v5 =	vsel vm0, $0xFFFFFFFF, v2;
	[sflag:s13] =	ssyncadd.s32 $0xFFFFD8F0  }
0x49: {  	v4 =	vadd.s32 v5, v4;
	[tilespmem:s2], [sflag:$0x1] =	stream.linear.gather [hbm4b:s7+s2], $0x2710, $0x38;
	[tilespmem:$0xC5C8] =	vst v63  }
0x4a: {  	v4 =	vmul.u32 $0x50, v4;
	_ =	swait.ge [sflag:s13], $0x2710  }
0x4b: {  	v5 =	vand.u32 $0x78, v3;
	[sflag:s13] =	ssyncset.done $0x0  }
0x4c: {  	v3 =	vand.u32 $0x7, v3;
	v4 =	vadd.s32 v5, v4;
	[sflag:s13] =	ssyncadd.s32 $0xFFFFD8F0  }
0x4d: {  	v3 =	vor.u32 v3, v4;
	[tilespmem:s15], [sflag:$0x1] =	stream.linear.gather [hbm4b:s8+s2], $0x2710, $0x38;
	[tilespmem:$0xC5C8] =	vst v63  }
0x4e: {  	_ =	swait.ge [sflag:s13], $0x2710  }
0x4f: {  	[sflag:s13] =	ssyncset.done $0x0  }
0x50: {  	[sflag:s13] =	ssyncadd.s32 $0xFFFFD8F0  }
0x51: {  	[bflag:$0x0] =	sbarrier.arrive $0xFFFF  }
0x52: {  	v4 =	vld.idx.msk [tilespmem:v3+s15+$0x0], $0xffff  }
0x53: {  	v3 =	vld.idx.msk [tilespmem:v3+s2+$0x0], $0xffff;
	_ =	sdelay $0x6  }
0x54: {  	v4 =	vld.idx.msk [tilespmem:v4+s14+$0x0], $0xffff  }
0x55: {  	v3 =	vld.idx.msk [tilespmem:v3+s12+$0x0], $0xffff;
	_ =	sdelay $0x2  }
0x56: {  	s31 =	simm.s32 $0x10  }
0x57: {  	v5 =	vor.u32 s31, v1  }
0x58: {  	v6 =	vmulhi.u32 $0xCCCCCCCD, v5;
	v3 =	vadd.f32 v4, v3;
	_ =	sdelay $0x1  }
0x59: {  	v4 =	vshrl.u32 v6, $0x6;
	v6 =	vmul.f32 $2.000000030e-01, v3  }
0x5a: {  	v4 =	vmul.u32 $0x50, v4;
	vm13 =	vge.f32 v3, $0.0e+00  }
0x5b: {  	v3 =	vsel vm13, v3, v6  }
0x5c: {  	v4 =	vsub.s32 v5, v4;
	v6 =	vmov s31;
	v3 =	vmul.f32 $1.442695020e+00, v3  }
0x5d: {  	vm15 =	vne.s32 v4, $0x0;
	v5 =	vmulhi.u32 $0xCCCCCCCD, v6;
	vm14 =	veq.s32 v6, v1  }
0x5e: {  	vm0 =	vmand vm14, vm15;
	(erf) = vpow2.f32 v3  }
0x5f: {  	v3 =	vshrl.u32 v5, $0x6;
	v5 =	vsel vm0, $0xFFFFFFFF, v2  }
0x60: {  	v3 =	vadd.s32 v5, v3  }
0x61: {  	v3 =	vmul.u32 $0x50, v3  }
0x62: {  	v5 =	vand.u32 $0x78, v4  }
0x63: {  	v4 =	vand.u32 $0x7, v4;
	v3 =	vadd.s32 v5, v3  }
0x64: {  	v3 =	vor.u32 v4, v3;
	_ =	sdelay $0x2  }
0x65: {  	v4 =	vpop (erf)  }
0x66: {  	[tilespmem:s17+$0x0] =	vst v4  }
0x67: {  	v4 =	vld.idx.msk [tilespmem:v3+s15+$0x0], $0xffff  }
0x68: {  	v3 =	vld.idx.msk [tilespmem:v3+s2+$0x0], $0xffff;
	_ =	sdelay $0x6  }
0x69: {  	v4 =	vld.idx.msk [tilespmem:v4+s14+$0x0], $0xffff  }
0x6a: {  	v6 =	vld.idx.msk [tilespmem:v3+s12+$0x0], $0xffff;
	_ =	sdelay $0x2  }
0x6b: {  	s21 =	simm.s32 $0x20  }
0x6c: {  	v3 =	vor.u32 s21, v1  }
0x6d: {  	s22 =	simm.s32 $0x30;
	s20 =	simm.s32 $0x9C40;
	v5 =	vmulhi.u32 $0xCCCCCCCD, v3;
	v4 =	vadd.f32 v4, v6  }
.LBB2_2:
0x6e: {  	p2 =	sne.s32 s22, $0x2700  }
0x6f: {  	v5 =	vshrl.u32 v5, $0x6;
	v6 =	vmul.f32 $2.000000030e-01, v4  }
0x70: {  	vm0 =	vge.f32 v4, $0.0e+00;
	v5 =	vmul.u32 $0x50, v5  }
0x71: {  	v4 =	vsel vm0, v4, v6  }
0x72: {  	v6 =	vmov s21;
	s21 =	smov.u32 s22;
	v3 =	vsub.s32 v3, v5;
	v4 =	vmul.f32 $1.442695020e+00, v4  }
0x73: {  	v5 =	vmulhi.u32 $0xCCCCCCCD, v6;
	vm0 =	veq.s32 v6, v1;
	vm1 =	vne.s32 v3, $0x0  }
0x74: {  	vm0 =	vmand vm0, vm1;
	(erf) = vpow2.f32 v4  }
0x75: {  	v4 =	vshrl.u32 v5, $0x6;
	v5 =	vsel vm0, $0xFFFFFFFF, v2  }
0x76: {  	v4 =	vadd.s32 v5, v4  }
0x77: {  	v4 =	vmul.u32 $0x50, v4  }
0x78: {  	v5 =	vand.u32 $0x78, v3  }
0x79: {  	v3 =	vand.u32 $0x7, v3;
	v4 =	vadd.s32 v5, v4  }
0x7a: {  	v3 =	vor.u32 v3, v4;
	_ =	sdelay $0x2  }
0x7b: {  	s20 =	sadd.s32 $0x10, s20;
	v4 =	vpop (erf)  }
0x7c: {  	[tilespmem:s20+$0x0] =	vst v4  }
0x7d: {  	v4 =	vld.idx.msk [tilespmem:v3+s15+$0x0], $0xffff  }
0x7e: {  	v3 =	vld.idx.msk [tilespmem:v3+s23+$0x0], $0xffff;
	_ =	sdelay $0x6  }
0x7f: {  	v4 =	vld.idx.msk [tilespmem:v4+s14+$0x0], $0xffff  }
0x80: {  	v6 =	vld.idx.msk [tilespmem:v3+s12+$0x0], $0xffff;
	_ =	sdelay $0x1  }
.Ltmp0:
0x81: {  	(pc) =	sbr.rel @p2 .LBB2_2-.Ltmp0, $3  }
0x82: {  	_ =	sdelay $0x1  }
0x83: {  	v3 =	vor.u32 s22, v1  }
0x84: {  	s22 =	sadd.s32 $0x10, s22;
	v5 =	vmulhi.u32 $0xCCCCCCCD, v3;
	v4 =	vadd.f32 v4, v6  }
0x85: {  	_ = 	snop  }
0x86: {  	v5 =	vshrl.u32 v5, $0x6;
	v6 =	vmul.f32 $2.000000030e-01, v4  }
0x87: {  	vm0 =	vge.f32 v4, $0.0e+00;
	v5 =	vmul.u32 $0x50, v5  }
0x88: {  	v4 =	vsel vm0, v4, v6  }
0x89: {  	v58 =	vmov s21;
	v3 =	vsub.s32 v3, v5;
	v4 =	vmul.f32 $1.442695020e+00, v4  }
0x8a: {  	v59 =	vmulhi.u32 $0xCCCCCCCD, v58;
	vm14 =	veq.s32 v58, v1;
	vm1 =	vne.s32 v3, $0x0  }
0x8b: {  	vm0 =	vmand vm14, vm1;
	(erf) = vpow2.f32 v4  }
0x8c: {  	v60 =	vshrl.u32 v59, $0x6;
	v61 =	vsel vm0, $0xFFFFFFFF, v2  }
0x8d: {  	v4 =	vadd.s32 v61, v60  }
0x8e: {  	v4 =	vmul.u32 $0x50, v4  }
0x8f: {  	v62 =	vand.u32 $0x78, v3  }
0x90: {  	v3 =	vand.u32 $0x7, v3;
	v4 =	vadd.s32 v62, v4  }
0x91: {  	v3 =	vor.u32 v3, v4;
	_ =	sdelay $0x2  }
0x92: {  	s20 =	sadd.s32 $0x10, s20;
	v63 =	vpop (erf)  }
0x93: {  	[tilespmem:s20+$0x0] =	vst v63  }
0x94: {  	v4 =	vld.idx.msk [tilespmem:v3+s15+$0x0], $0xffff  }
0x95: {  	v3 =	vld.idx.msk [tilespmem:v3+s23+$0x0], $0xffff;
	_ =	sdelay $0x6  }
0x96: {  	v4 =	vld.idx.msk [tilespmem:v4+s14+$0x0], $0xffff  }
0x97: {  	v3 =	vld.idx.msk [tilespmem:v3+s12+$0x0], $0xffff;
	_ =	sdelay $0x4  }
0x98: {  	v3 =	vadd.f32 v4, v3;
	_ =	sdelay $0x1  }
0x99: {  	v4 =	vmul.f32 $2.000000030e-01, v3  }
0x9a: {  	vm15 =	vge.f32 v3, $0.0e+00  }
0x9b: {  	v3 =	vsel vm15, v3, v4  }
0x9c: {  	v3 =	vmul.f32 $1.442695020e+00, v3;
	_ =	sdelay $0x1  }
0x9d: {  	(erf) = vpow2.f32 v3;
	_ =	sdelay $0x6  }
0x9e: {  	p2 =	por $0x1, $0x1  }
.Ltmp1:
0x9f: {  	_ = 	snop;
	(pc) =	sbr.rel @!p2 .LBB2_5-.Ltmp1, $4  }
0xa0: {  	s20 =	sadd.s32 $0x10, s20;
	v3 =	vpop (erf)  }
0xa1: {  	s30 =	simm.s32 $0x9C40;
	s31 =	simm.s32 $0x2710;
	[tilespmem:s20+$0x0] =	vst v3  }
0xa2: {  	[spmem:s1] =	stream.indirect.scatter.add.f32 [tilespmem:s30], [sflag:$0x1], $0x1, s31, s16, $0xb8;
	[tilespmem:$0xC5C8] =	vst v63  }
0xa3: {  	s20 =	simm.s32 $0x140;
	_ =	swait.ge [sflag:s13], $0x50  }
.LBB2_4:
0xa4: {  	s21 =	sshra.s32 s20, $0x2  }
0xa5: {  	[sflag:s13] =	ssyncset.done $0x0;
	p2 =	sne.s32 s20, $0x9B00;
	s22 =	sadd.s32 $0x9C40, s21  }
.Ltmp2:
0xa6: {  	s21 =	sadd.s32 $0x2710, s21;
	[sflag:s13] =	ssyncadd.s32 $0xFFFFFFB0;
	(pc) =	sbr.rel @p2 .LBB2_4-.Ltmp2, $3  }
0xa7: {  	[spmem:s1] =	stream.indirect.scatter.add.f32 [tilespmem:s22], [sflag:$0x1], $0x1, s21, s16, $0xb8;
	[tilespmem:$0xC5C8] =	vst v63  }
0xa8: {  	s20 =	sadd.s32 $0x140, s20;
	_ =	sdelay $0x1  }
0xa9: {  	_ =	swait.ge [sflag:s13], $0x50  }
.LBB2_5:
0xaa: {  	[sflag:s13] =	ssyncset.done $0x0  }
0xab: {  	[sflag:s13] =	ssyncadd.s32 $0xFFFFFFB0  }
0xac: {  	[hbm4b:s9+s2] =	stream.linear.scatter [tilespmem:s17], [sflag:$0x1], $0x2710, $0x38;
	[tilespmem:$0xC5C8] =	vst v63  }
0xad: {  	_ =	swait.ge [sflag:s13], $0x2710  }
0xae: {  	[sflag:s13] =	ssyncset.done $0x0  }
0xaf: {  	s19 =	sadd.s32 $0x1, s19;
	[sflag:s13] =	ssyncadd.s32 $0xFFFFD8F0  }
0xb0: {  	s20 =	simm.s32 @!p0 $0x1C01;
	p2 =	sne.s32 s19, s11;
	[bflag:$0x0] =	sbarrier.arrive $0xFFFF  }
0xb1: {  	[hbm:s10], [sflag:s20] =	dma.local @!p0 [spmem:s18], $0x4E2  }
.Ltmp3:
0xb2: {  	_ = 	snop;
	(pc) =	sbr.rel @p2 .LBB2_1-.Ltmp3, $4  }
0xb3: {  	s20 =	simm.s32 @!p0 $0x1  }
0xb4: {  	_ =	swait.ge @!p0 [sflag:s20], $0x4E2  }
0xb5: {  	[sflag:s20] =	ssyncset.done @!p0 $0x0  }
0xb6: {  	[sflag:s20] =	ssyncadd.s32 @!p0 $0xFFFFFB1E  }
0xb7: {  	_ =	sfence.sel $0x180000  }
0xb8: {  	[bflag:$0x0] =	sbarrier.arrive $0xFFFF  }
0xb9: {  	_ =	strace $0x90000047  }
0xba: {  	s0 =	sadd.s32 @!p0 $0x100000, s0;
	[bflag:$0x2] =	sbarrier.arrive $0xFFFF  }
0xbb: {  	[sflag:s0] =	ssyncadd.tile.s32 @!p0 $0x1;
	_ =	shalt  }
.Lfunc_end2:
_tile_overlayer_lowered:
.L_overlay_start_2:
0xbc: {  	(tag) =	ssettag $0x2  }
0xbd: {  	s0 =	rddreg [dreg:$0x0];
	s2 =	stileid.u32  }
0xbe: {  	s1 =	rddreg [dreg:$0x1];
	p0 =	sne.s32 s2, $0x0  }
0xbf: {  	s3 =	rddreg [dreg:$0x2];
	[bflag:$0x3] =	sbarrier.arrive $0xFFFF;
	s2 =	simm.s32 @!p0 $0x1C01  }
0xc0: {  	[timem:s3], [sflag:s2] =	dma.local @!p0 [hbm:s0], s1  }
0xc1: {  	s0 =	simm.s32 @!p0 $0x1  }
0xc2: {  	_ =	swait.ge @!p0 [sflag:s0], s1  }
0xc3: {  	s1 =	ssub.s32 @!p0 $0x0, s1;
	[sflag:s0] =	ssyncset.done @!p0 $0x0  }
0xc4: {  	[sflag:s0] =	ssyncadd.s32 @!p0 s1  }
0xc5: {  	[bflag:$0x3] =	sbarrier.arrive $0xFFFF  }
0xc6: {  	_ =	shalt  }

// kernel: kernel.9.cloned.1.call-start
scs
__scs_entry_jumppad:
0x0: {  	(pc) =	sbr.rel $0x88, $3  }
0x1: {  	(tag) =	ssettag $0x0;
	lr =	simm.s32 $0x1  }
0x2: {  	[smem:$0x3F9B] =	sst lr;
	_ =	strace $0xD0000000  }
0x3: {  	_ = 	snop  }
0x4: {  	_ = 	snop  }
0x5: {  	_ = 	snop  }
0x6: {  	_ = 	snop  }
0x7: {  	_ = 	snop  }
__scs_overlays_trampoline_lowered:
0x8: {  	[smem:$0x3FAA] =	sst s0  }
0x9: {  	[smem:$0x3FAB] =	sst s1  }
0xa: {  	[smem:$0x3FAC] =	sst s2  }
0xb: {  	[smem:$0x3FAD] =	sst s3  }
0xc: {  	[smem:$0x3FAE] =	sst s4  }
0xd: {  	[smem:$0x3FAF] =	sst s5  }
0xe: {  	[smem:$0x3FB0] =	sst s6  }
0xf: {  	[smem:$0x3FB1] =	sst s7  }
0x10: {  	[smem:$0x3FB2] =	sst s8  }
0x11: {  	[smem:$0x3FB3] =	sst s9;
	s0 =	simm.s32 @!p0 $0x0  }
0x12: {  	s1 =	sld [smem:$0x3F99];
	s0 =	simm.s32 @p0 $0x1  }
0x13: {  	[smem:$0x3FB4] =	sst s0;
	s0 =	simm.s32 @!p1 $0x0  }
0x14: {  	s2 =	sld [smem:$0x3F98];
	s0 =	simm.s32 @p1 $0x1  }
0x15: {  	[smem:$0x3FB5] =	sst s0;
	s0 =	simm.s32 @!p2 $0x0  }
0x16: {  	s3 =	sld [smem:$0x3FDB];
	s0 =	simm.s32 @p2 $0x1  }
0x17: {  	s4 =	simm.s32 $0x1BF5;
	[smem:$0x3FB7] =	sst s0  }
0x18: {  	s0 =	sld [smem:$0x3F9A];
	_ =	swait.ge [sflag:s4], $0x0  }
0x19: {  	s7 =	sld [smem:$0x3F9B]  }
0x1a: {  	s8 =	sadd.s32 $0xFFFFE003, lr  }
0x1b: {  	s9 =	sadd.s32 $0xFFFFFEF7, lr;
	s5 =	simm.s32 $0xFFFFFFFF;
	p2 =	slt.u32 s8, $0xFFFFF086  }
0x1c: {  	p1 =	slt.u32 s9, $0xF7A;
	s5 =	simm.s32 @!p2 $0x0  }
0x1d: {  	s5 =	simm.s32 @p1 $0x1;
	p0 =	seq.s32 s7, s2  }
0x1e: {  	s7 =	smul.u32 @!p0 $0xF7A, s2;
	p2 =	seq.s32 @!p0 s5, $0x0  }
0x1f: {  	s9 =	smul.u32 $0xF7A, s1;
	s8 =	simm.s32 @!p0 $0x1BF5;
	p2 =	por !p2, p0  }
0x20: {  	[sflag:s8] =	ssyncset.s32 @!p0 $0xFFFFF086;
	s6 =	sadd.s32 @!p0 s3, s7;
	s7 =	simm.s32 @!p0 $0x108  }
0x21: {  	s3 =	sadd.s32 s3, s9;
	s6 =	sadd.s32 @!p0 $0x88, s6;
	s7 =	simm.s32 @p2 $0x1082  }
0x22: {  	[simem:s7], [sflag:s8] =	dma.local @!p0 [hbm:s6], $0xF7A  }
0x23: {  	s9 =	sor.u32 $0xD0000000, s2;
	s6 =	simm.s32 $0x108;
	_ =	swait.ge @!p0 [sflag:s8], $0x0  }
0x24: {  	s3 =	sadd.s32 $0x88, s3;
	s6 =	simm.s32 @!p1 $0x1082;
	[sflag:s4] =	ssyncset.s32 $0xFFFFF086  }
0x25: {  	[simem:s6], [sflag:s4] =	dma.local [hbm:s3], $0xF7A  }
0x26: {  	[smem:$0x3F9B] =	sst s1;
	(tag) =	ssettag s2;
	_ =	strace s9  }
0x27: {  	s1 =	sld [smem:$0x3FAB]  }
0x28: {  	s2 =	sld [smem:$0x3FAC]  }
0x29: {  	s4 =	sld [smem:$0x3FAE]  }
0x2a: {  	p0 =	seq.s32 s5, $0x0;
	s5 =	sld [smem:$0x3FAF]  }
0x2b: {  	s6 =	sld [smem:$0x3FB0]  }
0x2c: {  	s7 =	sld [smem:$0x3FB1]  }
0x2d: {  	s3 =	simm.s32 $0x108;
	s8 =	sld [smem:$0x3FB2]  }
0x2e: {  	s3 =	simm.s32 @!p0 $0x1082;
	s9 =	sld [smem:$0x3FB3]  }
0x2f: {  	lr =	sadd.s32 s0, s3;
	s0 =	sld [smem:$0x3FAA]  }
0x30: {  	s3 =	sld [smem:$0x3FAD]  }
0x31: {  	[smem:$0x3FB6] =	sst s10  }
0x32: {  	s10 =	sld [smem:$0x3FB4];
	_ =	sdelay $0x3  }
0x33: {  	p0 =	seq.s32 s10, $0x1;
	s10 =	sld [smem:$0x3FB6];
	_ =	sdelay $0x3  }
0x34: {  	[smem:$0x3FB6] =	sst s10  }
0x35: {  	s10 =	sld [smem:$0x3FB5];
	_ =	sdelay $0x3  }
0x36: {  	p1 =	seq.s32 s10, $0x1;
	s10 =	sld [smem:$0x3FB6];
	_ =	sdelay $0x3  }
0x37: {  	[smem:$0x3FB6] =	sst s10  }
0x38: {  	s10 =	sld [smem:$0x3FB7]  }
0x39: {  	_ = 	snop;
	(pc) =	sbr.ind lr, $3  }
0x3a: {  	_ = 	snop  }
0x3b: {  	_ = 	snop  }
0x3c: {  	p2 =	seq.s32 s10, $0x1;
	s10 =	sld [smem:$0x3FB6]  }
0x3d: {  	_ =	shalt  }
0x3e: {  	_ =	shalt  }
0x3f: {  	_ =	shalt  }
0x40: {  	_ =	shalt  }
0x41: {  	_ =	shalt  }
0x42: {  	_ =	shalt  }
0x43: {  	_ =	shalt  }
0x44: {  	_ =	shalt  }
0x45: {  	_ =	shalt  }
0x46: {  	_ =	shalt  }
0x47: {  	_ =	shalt  }
0x48: {  	_ =	shalt  }
0x49: {  	_ =	shalt  }
0x4a: {  	_ =	shalt  }
0x4b: {  	_ =	shalt  }
0x4c: {  	_ =	shalt  }
0x4d: {  	_ =	shalt  }
0x4e: {  	_ =	shalt  }
0x4f: {  	_ =	shalt  }
0x50: {  	_ =	shalt  }
0x51: {  	_ =	shalt  }
0x52: {  	_ =	shalt  }
0x53: {  	_ =	shalt  }
0x54: {  	_ =	shalt  }
0x55: {  	_ =	shalt  }
0x56: {  	_ =	shalt  }
0x57: {  	_ =	shalt  }
0x58: {  	_ =	shalt  }
0x59: {  	_ =	shalt  }
0x5a: {  	_ =	shalt  }
0x5b: {  	_ =	shalt  }
0x5c: {  	_ =	shalt  }
0x5d: {  	_ =	shalt  }
0x5e: {  	_ =	shalt  }
0x5f: {  	_ =	shalt  }
0x60: {  	_ =	shalt  }
0x61: {  	_ =	shalt  }
0x62: {  	_ =	shalt  }
0x63: {  	_ =	shalt  }
0x64: {  	_ =	shalt  }
0x65: {  	_ =	shalt  }
0x66: {  	_ =	shalt  }
0x67: {  	_ =	shalt  }
0x68: {  	_ =	shalt  }
0x69: {  	_ =	shalt  }
0x6a: {  	_ =	shalt  }
0x6b: {  	_ =	shalt  }
0x6c: {  	_ =	shalt  }
0x6d: {  	_ =	shalt  }
0x6e: {  	_ =	shalt  }
0x6f: {  	_ =	shalt  }
0x70: {  	_ =	shalt  }
0x71: {  	_ =	shalt  }
0x72: {  	_ =	shalt  }
0x73: {  	_ =	shalt  }
0x74: {  	_ =	shalt  }
0x75: {  	_ =	shalt  }
0x76: {  	_ =	shalt  }
0x77: {  	_ =	shalt  }
0x78: {  	_ =	shalt  }
0x79: {  	_ =	shalt  }
0x7a: {  	_ =	shalt  }
0x7b: {  	_ =	shalt  }
0x7c: {  	_ =	shalt  }
0x7d: {  	_ =	shalt  }
0x7e: {  	_ =	shalt  }
0x7f: {  	_ =	shalt  }
0x80: {  	_ =	shalt  }
0x81: {  	_ =	shalt  }
0x82: {  	_ =	shalt  }
0x83: {  	_ =	shalt  }
0x84: {  	_ =	shalt  }
0x85: {  	_ =	shalt  }
0x86: {  	_ =	shalt  }
0x87: {  	_ =	shalt  }
.Lfunc_end0:
.L_simem_size_0:
called_computation.1_lowered:
.L_overlay_start_0:
0x88: {  	s2 =	sld [smem:$0x3FD9]  }
0x89: {  	s3 =	sld [smem:$0x3FFE];
	_ =	sdelay $0x1  }
0x8a: {  	s1 =	srdreg.scid  }
0x8b: {  	s0 =	sand.u32 $0x1, s1  }
0x8c: {  	s17 =	sshll.u32 s0, $0xA;
	s2 =	sadd.s32 s3, s2  }
0x8d: {  	s2 =	sadd.s32 s2, s17  }
0x8e: {  	[smem:$0x3FC2] =	sst s2  }
0x8f: {  	_ = 	snop  }
0x90: {  	s2 =	sld [smem:$0x3FD0];
	(tm) =	ssettm $0x1  }
0x91: {  	s18 =	sld [smem:$0x3FFB];
	_ =	sdelay $0x3  }
0x92: {  	_ =	strace s18  }
0x93: {  	s3 =	sld [smem:$0x3FFC];
	_ =	sdelay $0x3  }
0x94: {  	_ =	strace s3  }
0x95: {  	s3 =	sld [smem:$0x3FFD];
	_ =	sdelay $0x3  }
0x96: {  	_ =	strace s3  }
0x97: {  	_ =	strace $0x8FFFFFFF  }
0x98: {  	s19 =	sld [smem:$0x3FDB];
	_ =	sdelay $0x1  }
0x99: {  	s4 =	simm.s32 $_scs_section_size  }
0x9a: {  	s5 =	simm.s32 $_size__tile_overlayer_lowered;
	s6 =	simm.s32 $_tile_overlayer_lowered  }
0x9b: {  	s22 =	simm.s32 $0x1BFF;
	s21 =	sshll.u32 s6, $0x1;
	s3 =	sadd.s32 s4, s19  }
0x9c: {  	s7 =	simm.s32 $0x0;
	s20 =	sshll.u32 s5, $0x1;
	s5 =	sadd.s32 s21, s3  }
0x9d: {  	[timem:s7], [sflag:s22] =	dma.local [hbm:s5], s20  }
0x9e: {  	_ =	swait.ge [sflag:s22], s20  }
0x9f: {  	s4 =	ssub.s32 $0x0, s20;
	[sflag:s22] =	ssyncset.done $0x0  }
0xa0: {  	[sflag:s22] =	ssyncadd.s32 s4;
	_ =	sdelay $0x1  }
0xa1: {  	s23 =	simm.s32 $0x1B8B  }
0xa2: {  	_ =	swait.ge [sflag:s23], $0x1  }
0xa3: {  	[sflag:s23] =	ssyncset.done $0x0  }
0xa4: {  	s25 =	simm.s32 $0x1B8E;
	s24 =	sld [smem:$0x3FFE];
	[sflag:s23] =	ssyncadd.s32 $0xFFFFFFFF  }
0xa5: {  	s26 =	simm.s32 $execute0_lowered;
	[smem:$0x3FD2] =	sst s25  }
0xa6: {  	s5 =	sshll.u32 s26, $0x1;
	_ =	strace $0x80000049;
	[dreg:$0x1] =	wrdreg $0xFFFFFFFF  }
0xa7: {  	s28 =	simm.s32 $_size_execute0_lowered;
	s3 =	sadd.s32 s3, s5;
	[dreg:$0x0] =	wrdreg $0x0  }
0xa8: {  	s5 =	sshll.u32 s28, $0x1;
	[dreg:$0x2] =	wrdreg s3  }
0xa9: {  	[dreg:$0x3] =	wrdreg s5  }
0xaa: {  	[dreg:$0x4] =	wrdreg $0xC0  }
0xab: {  	_ =	task [dreg:s7], $0x5FFFF  }
0xac: {  	[dreg:$0x1] =	wrdreg $0xFFFFFFFF  }
0xad: {  	[dreg:$0x0] =	wrdreg $0x60  }
0xae: {  	[dreg:$0x2] =	wrdreg s2  }
0xaf: {  	[dreg:$0x3] =	wrdreg s24  }
0xb0: {  	[dreg:$0x4] =	wrdreg $0xC5300  }
0xb1: {  	[dreg:$0x5] =	wrdreg $0x9  }
0xb2: {  	_ =	task.clear_ibuf [dreg:s7], $0x6FFFF;
	_ =	strace $0x90000049  }
0xb3: {  	s29 =	simm.s32 $0x9;
	_ =	strace $0x8000004B  }
0xb4: {  	_ =	swait.ge [sflag:s29], $0x1  }
0xb5: {  	[sflag:s29] =	ssyncadd.s32 $0xFFFFFFFF  }
0xb6: {  	_ =	strace $0x9000004B  }
0xb7: {  	_ =	sfence  }
0xb8: {  	s30 =	sld [smem:$0x0];
	_ =	sdelay $0x2  }
0xb9: {  	s31 =	sshll.u32 s1, $0xD;
	s1 =	sshrl.u32 s1, $0x2  }
0xba: {  	s3 =	sand.u32 $0x4000, s31;
	s1 =	sadd.s32 s1, s30  }
0xbb: {  	s0 =	sor.u32 s3, s0;
	s1 =	sshll.u32 s1, $0x11  }
0xbc: {  	s0 =	sor.u32 s1, s0  }
0xbd: {  	s0 =	sadd.s32 $0x8F2B, s0  }
0xbe: {  	[sflag:s0] =	ssyncadd.remote.s32 $0x1  }
0xbf: {  	_ =	sfence.sel $0xFFFF  }
0xc0: {  	[dreg:$0x0] =	wrdreg $0xFFFFFFFF;
	(pc) =	sbr.abs _section_cstart, $3  }
0xc1: {  	[dreg:$0x1] =	wrdreg $0xFFFFFFFF  }
0xc2: {  	_ =	task.clear_ibuf [dreg:s7], $0x2FFFF;
	_ =	strace $0x9FFFFFFF  }
0xc3: {  	(tm) =	ssettm $0x7FFFFFFF  }
tec
execute0_lowered:
.L_overlay_start_1:
0x0: {  	(tag) =	ssettag $0x1  }
0x1: {  	s1 =	rddreg [dreg:$0x0]  }
0x2: {  	s0 =	srdreg.scid;
	s2 =	rddreg [dreg:$0x1]  }
0x3: {  	s19 =	stileid.u32;
	s3 =	rddreg [dreg:$0x2]  }
0x4: {  	s5 =	simm.s32 $0x0;
	s20 =	simm.s32 $0x3;
	s22 =	simm.s32 $0x4E20  }
0x5: {  	s23 =	simm.s32 $0x50;
	s24 =	simm.s32 $0x9D30;
	s28 =	simm.s32 $0x2  }
0x6: {  	s30 =	simm.s32 $0x0;
	s0 =	sand.u32 $0x1, s0;
	s26 =	smul.u32 $0x50000, s19  }
0x7: {  	s4 =	sshll.u32 s19, $0x1;
	[smem:$0x7FF] =	sst s5;
	s14 =	smul.u32 $0x14000, s19  }
0x8: {  	p0 =	seq.s32 s19, $0xF;
	s19 =	simm.s32 $0x7530;
	s4 =	sor.u32 s0, s4  }
0x9: {  	_ =	strace $0x8000004A;
	s6 =	ssub.s32 $0x2, s0;
	s0 =	smul.u32 $0x138800, s0  }
0xa: {  	s4 =	smul.u32 $0x4E2, s4;
	s5 =	sshrl.u32 s26, $0x2;
	s7 =	sshrl.u32 s6, $0x1  }
0xb: {  	s26 =	simm.s32 $0x1;
	s12 =	sadd.s32 s5, s3;
	s6 =	ssub.s32 s6, s7  }
0xc: {  	s5 =	sadd.s32 s14, s3;
	s15 =	sadd.s32 s14, s0;
	s0 =	sshrl.u32 s0, $0x3  }
0xd: {  	s4 =	sadd.s32 s4, s2;
	s2 =	sadd.s32 $0x20400, s2;
	s29 =	sadd.s32 $0x2800, s12  }
0xe: {  	s31 =	sadd.s32 $0x5000, s12;
	s8 =	sadd.s32 $0x7800, s12;
	s9 =	sadd.s32 $0xA000, s12  }
0xf: {  	s10 =	sadd.s32 $0xC800, s12;
	s11 =	sadd.s32 $0xF000, s12;
	s12 =	sadd.s32 $0x11800, s12  }
0x10: {  	s16 =	sshrl.u32 s15, $0x3;
	s18 =	smax.u32 s6, $0x1;
	[dreg:$0x4] =	wrdreg s29  }
0x11: {  	[dreg:$0x5] =	wrdreg s31;
	s13 =	sadd.s32 $0xBE00, s4;
	s0 =	sadd.s32 s2, s0  }
0x12: {  	s14 =	sadd.s32 $0x2000, s4;
	s17 =	sadd.s32 $0x25800, s0;
	s0 =	sadd.s32 $0x12C000, s3  }
0x13: {  	v0 =	vimm.f32 $0.0e+00;
	s15 =	sadd.s32 $0x16600, s4;
	s16 =	sadd.s32 s2, s16;
	s25 =	sshrl.u32 @p0 s0, $0x3  }
.LBB2_1:
0x14: {  	s2 =	simm.s32 $0x0  }
0x15: {  	s0 =	sand.u32 $0xFE00, s2  }
0x16: {  	s2 =	sand.u32 $0x70, s2;
	s4 =	sshrl.u32 s0, $0x2  }
0x17: {  	s0 =	simm.s32 $0x40;
	s4 =	sor.u32 s2, s4;
	s2 =	simm.s32 $0x0  }
.LBB2_2:
0x18: {  	p1 =	sne.s32 s0, $0x9FC0  }
0x19: {  	[tilespmem:s4+$0x7530] =	vst v0;
	s2 =	sadd.s32 $0x10, s2;
	s4 =	smov.u32 s0;
	s0 =	sadd.s32 $0x40, s0  }
.Ltmp0:
0x1a: {  	(pc) =	sbr.rel @p1 .LBB2_2-.Ltmp0, $4  }
0x1b: {  	_ = 	snop  }
0x1c: {  	s4 =	sand.u32 $0xFE00, s4  }
0x1d: {  	s6 =	sand.u32 $0x70, s2;
	s4 =	sshrl.u32 s4, $0x2  }
0x1e: {  	s4 =	sor.u32 s6, s4  }
0x1f: {  	[tilespmem:s4+$0x7530] =	vst v0  }
0x20: {  	[spmem:s5] =	stream.linear.scatter [tilespmem:s19], [sflag:$0x3], $0x2800, $0x38;
	[tilespmem:$0x1FDB0] =	vst v63  }
0x21: {  	_ =	swait.ge [sflag:s20], $0x2800  }
0x22: {  	[sflag:s20] =	ssyncset.done $0x0  }
0x23: {  	s0 =	rddreg [dreg:$0x4];
	[sflag:s20] =	ssyncadd.s32 $0xFFFFD800  }
0x24: {  	[spmem:s0] =	stream.linear.scatter [tilespmem:s19], [sflag:$0x3], $0x2800, $0x38;
	[tilespmem:$0x1FDB0] =	vst v63  }
0x25: {  	_ =	swait.ge [sflag:s20], $0x2800  }
0x26: {  	[sflag:s20] =	ssyncset.done $0x0  }
0x27: {  	s21 =	rddreg [dreg:$0x5];
	[sflag:s20] =	ssyncadd.s32 $0xFFFFD800  }
0x28: {  	[spmem:s21] =	stream.linear.scatter [tilespmem:s19], [sflag:$0x3], $0x2800, $0x38;
	[tilespmem:$0x1FDB0] =	vst v63  }
0x29: {  	_ =	swait.ge [sflag:s20], $0x2800  }
0x2a: {  	[sflag:s20] =	ssyncset.done $0x0  }
0x2b: {  	[sflag:s20] =	ssyncadd.s32 $0xFFFFD800  }
0x2c: {  	[spmem:s8] =	stream.linear.scatter [tilespmem:s19], [sflag:$0x3], $0x2800, $0x38;
	[tilespmem:$0x1FDB0] =	vst v63  }
0x2d: {  	_ =	swait.ge [sflag:s20], $0x2800  }
0x2e: {  	[sflag:s20] =	ssyncset.done $0x0  }
0x2f: {  	[sflag:s20] =	ssyncadd.s32 $0xFFFFD800  }
0x30: {  	[spmem:s9] =	stream.linear.scatter [tilespmem:s19], [sflag:$0x3], $0x2800, $0x38;
	[tilespmem:$0x1FDB0] =	vst v63  }
0x31: {  	_ =	swait.ge [sflag:s20], $0x2800  }
0x32: {  	[sflag:s20] =	ssyncset.done $0x0  }
0x33: {  	s2 =	simm.s32 @!p0 $0x3;
	s0 =	simm.s32 @!p0 $0x7530;
	[sflag:s20] =	ssyncadd.s32 $0xFFFFD800  }
0x34: {  	[spmem:s10] =	stream.linear.scatter @!p0 [tilespmem:s0], [sflag:$0x3], $0x2800, $0x38;
	[tilespmem:$0x1FDB0] =	vst v63  }
0x35: {  	_ =	swait.ge @!p0 [sflag:s2], $0x2800  }
0x36: {  	[sflag:s2] =	ssyncset.done @!p0 $0x0  }
0x37: {  	[sflag:s2] =	ssyncadd.s32 @!p0 $0xFFFFD800  }
0x38: {  	[spmem:s11] =	stream.linear.scatter @!p0 [tilespmem:s0], [sflag:$0x3], $0x2800, $0x38;
	[tilespmem:$0x1FDB0] =	vst v63  }
0x39: {  	_ =	swait.ge @!p0 [sflag:s2], $0x2800  }
0x3a: {  	[sflag:s2] =	ssyncset.done @!p0 $0x0  }
0x3b: {  	[sflag:s2] =	ssyncadd.s32 @!p0 $0xFFFFD800  }
0x3c: {  	[spmem:s12] =	stream.linear.scatter @!p0 [tilespmem:s0], [sflag:$0x3], $0x2800, $0x38;
	[tilespmem:$0x1FDB0] =	vst v63  }
0x3d: {  	_ =	swait.ge @!p0 [sflag:s2], $0x2800  }
0x3e: {  	[sflag:s2] =	ssyncset.done @!p0 $0x0  }
0x3f: {  	s31 =	simm.s32 $0x0;
	[sflag:s2] =	ssyncadd.s32 @!p0 $0xFFFFD800  }
0x40: {  	[tilespmem:s31], [sflag:$0x3] =	stream.linear.gather [hbm4b:s13+s31], $0x2710, $0x38;
	[tilespmem:$0x1FDB0] =	vst v63  }
0x41: {  	_ =	swait.ge [sflag:s20], $0x2710  }
0x42: {  	[sflag:s20] =	ssyncset.done $0x0  }
0x43: {  	s29 =	simm.s32 $0x2710;
	[sflag:s20] =	ssyncadd.s32 $0xFFFFD8F0  }
0x44: {  	[tilespmem:s29], [sflag:$0x3] =	stream.linear.gather [hbm4b:s14+s31], $0x2710, $0x38;
	[tilespmem:$0x1FDB0] =	vst v63  }
0x45: {  	_ =	swait.ge [sflag:s20], $0x2710  }
0x46: {  	[sflag:s20] =	ssyncset.done $0x0  }
0x47: {  	[sflag:s20] =	ssyncadd.s32 $0xFFFFD8F0  }
0x48: {  	[tilespmem:s22], [sflag:$0x3] =	stream.linear.gather [hbm4b:s15+s31], $0x2710, $0x38;
	[tilespmem:$0x1FDB0] =	vst v63  }
0x49: {  	_ =	swait.ge [sflag:s20], $0x2710  }
0x4a: {  	[sflag:s20] =	ssyncset.done $0x0  }
0x4b: {  	[sflag:s20] =	ssyncadd.s32 $0xFFFFD8F0  }
0x4c: {  	s21 =	simm.s32 $0x0;
	s2 =	simm.s32 $0x50;
	[bflag:$0x0] =	sbarrier.arrive $0xFFFF  }
0x4d: {  	[tilespmem:s19], [sflag:$0x1] =	stream.indirect.gather [hbm4b:s1+s2], $0x80, s31, s2, $0xb8;
	[tilespmem:$0x1FDB0] =	vst v63  }
.LBB2_4:
0x4e: {  	s0 =	smul.u32 $0xA0, s21;
	_ =	sdelay $0x1  }
0x4f: {  	s29 =	sadd.s32 $0x50, s0  }
0x50: {  	[tilespmem:s24], [sflag:$0x2] =	stream.indirect.gather [hbm4b:s1+s23], $0x80, s29, s23, $0xb8;
	[tilespmem:$0x1FDB0] =	vst v63  }
0x51: {  	s7 =	sadd.s32 $0x0, s31;
	_ =	swait.ge [sflag:s26], $0x2800  }
0x52: {  	v1 =	vmov s7;
	[sflag:s26] =	ssyncset.done $0x0  }
0x53: {  	s0 =	simm.s32 $0x7570;
	[sflag:s26] =	ssyncadd.s32 $0xFFFFD800  }
0x54: {  	v5 =	vld [tilespmem:s0+$0x30]  }
0x55: {  	v8 =	vld [tilespmem:s0+$0x10]  }
0x56: {  	v6 =	vld [tilespmem:s0+$0xFFFFFFC0]  }
0x57: {  	v2 =	vld.idx.msk [tilespmem:v1+s22+$0x0], $0xffff  }
0x58: {  	v10 =	vld [tilespmem:s0+$0xFFFFFFE0]  }
0x59: {  	v1 =	vld [tilespmem:s0+$0xFFFFFFF0]  }
0x5a: {  	v3 =	vld [tilespmem:s0+$0x20]  }
0x5b: {  	v4 =	vld [tilespmem:s0+$0xFFFFFFD0]  }
0x5c: {  	v9 =	vmul.f32 v5, v2;
	v5 =	vld [tilespmem:s0+$0x0]  }
0x5d: {  	v7 =	vmul.f32 v6, v2  }
0x5e: {  	s4 =	simm.s32 $0x1;
	s6 =	simm.s32 $0x7570;
	v6 =	vmul.f32 v10, v2;
	v8 =	vmul.f32 v8, v2  }
.LBB2_5:
0x5f: {  	p1 =	sne.s32 s4, $0x4F  }
0x60: {  	v4 =	vmul.f32 v4, v2;
	v3 =	vmul.f32 v3, v2;
	[tilespmem:s0+$0x30] =	vst v9;
	s6 =	sadd.s32 $0x80, s6;
	s7 =	smov.u32 s4;
	s4 =	sadd.s32 $0x1, s4  }
0x61: {  	[tilespmem:s0+$0xFFFFFFC0] =	vst v7;
	v7 =	vmul.f32 v1, v2;
	v2 =	vmul.f32 v5, v2  }
0x62: {  	s7 =	sadd.s32 s7, s31;
	[tilespmem:s0+$0x10] =	vst v8  }
0x63: {  	v5 =	vmov s7;
	[tilespmem:s0+$0xFFFFFFE0] =	vst v6  }
0x64: {  	v1 =	vld [tilespmem:s6+$0xFFFFFFF0];
	[tilespmem:s0+$0xFFFFFFF0] =	vst v7  }
0x65: {  	v6 =	vld [tilespmem:s6+$0x30];
	[tilespmem:s0+$0x0] =	vst v2  }
0x66: {  	v8 =	vld [tilespmem:s6+$0x10];
	[tilespmem:s0+$0x20] =	vst v3  }
0x67: {  	v7 =	vld [tilespmem:s6+$0xFFFFFFC0];
	[tilespmem:s0+$0xFFFFFFD0] =	vst v4;
	s0 =	smov.u32 s6  }
0x68: {  	v2 =	vld.idx.msk [tilespmem:v5+s22+$0x0], $0xffff  }
0x69: {  	v10 =	vld [tilespmem:s6+$0xFFFFFFE0]  }
0x6a: {  	v3 =	vld [tilespmem:s6+$0x20]  }
.Ltmp1:
0x6b: {  	v4 =	vld [tilespmem:s6+$0xFFFFFFD0];
	(pc) =	sbr.rel @p1 .LBB2_5-.Ltmp1, $3  }
0x6c: {  	v5 =	vld [tilespmem:s6+$0x0];
	_ =	sdelay $0x1  }
0x6d: {  	v7 =	vmul.f32 v7, v2;
	v9 =	vmul.f32 v6, v2  }
0x6e: {  	v8 =	vmul.f32 v8, v2;
	v6 =	vmul.f32 v10, v2  }
0x6f: {  	[tilespmem:s0+$0x30] =	vst v9  }
0x70: {  	[tilespmem:s0+$0xFFFFFFC0] =	vst v7  }
0x71: {  	v1 =	vmul.f32 v1, v2;
	[tilespmem:s0+$0x10] =	vst v8  }
0x72: {  	v3 =	vmul.f32 v3, v2;
	[tilespmem:s0+$0xFFFFFFE0] =	vst v6  }
0x73: {  	s4 =	smul.u32 $0x280, s21;
	v5 =	vmul.f32 v5, v2;
	[tilespmem:s0+$0xFFFFFFF0] =	vst v1  }
0x74: {  	v1 =	vmul.f32 v4, v2;
	[tilespmem:s0+$0x20] =	vst v3  }
0x75: {  	s4 =	sshra.s32 s4, $0x2;
	[tilespmem:s0+$0x0] =	vst v5  }
0x76: {  	s7 =	sadd.s32 $0x2710, s4;
	[tilespmem:s0+$0xFFFFFFD0] =	vst v1  }
0x77: {  	[spmem:s3] =	stream.indirect.scatter.add.f32 [tilespmem:s19], [sflag:$0x3], $0x80, s7, s23, $0xb8;
	[tilespmem:$0x1FDB0] =	vst v63  }
0x78: {  	_ =	swait.ge [sflag:s20], $0x2800  }
0x79: {  	[sflag:s20] =	ssyncset.done $0x0  }
0x7a: {  	s6 =	sadd.s32 $0xA0, s4;
	[sflag:s20] =	ssyncadd.s32 $0xFFFFD800  }
0x7b: {  	[tilespmem:s19], [sflag:$0x1] =	stream.indirect.gather [hbm4b:s1+s23], $0x80, s6, s23, $0xb8;
	[tilespmem:$0x1FDB0] =	vst v63  }
0x7c: {  	s7 =	sadd.s32 $0x0, s2;
	_ =	swait.ge [sflag:s28], $0x2800  }
0x7d: {  	v1 =	vmov s7;
	[sflag:s28] =	ssyncset.done $0x0  }
0x7e: {  	s0 =	simm.s32 $0x9D70;
	[sflag:s28] =	ssyncadd.s32 $0xFFFFD800  }
0x7f: {  	v5 =	vld [tilespmem:s0+$0x30]  }
0x80: {  	v8 =	vld [tilespmem:s0+$0x10]  }
0x81: {  	v6 =	vld [tilespmem:s0+$0xFFFFFFC0]  }
0x82: {  	v2 =	vld.idx.msk [tilespmem:v1+s22+$0x0], $0xffff  }
0x83: {  	v10 =	vld [tilespmem:s0+$0xFFFFFFE0]  }
0x84: {  	v1 =	vld [tilespmem:s0+$0xFFFFFFF0]  }
0x85: {  	v3 =	vld [tilespmem:s0+$0x20]  }
0x86: {  	v4 =	vld [tilespmem:s0+$0xFFFFFFD0]  }
0x87: {  	v9 =	vmul.f32 v5, v2;
	v5 =	vld [tilespmem:s0+$0x0]  }
0x88: {  	v7 =	vmul.f32 v6, v2  }
0x89: {  	s4 =	simm.s32 $0x1;
	s6 =	simm.s32 $0x9D70;
	v6 =	vmul.f32 v10, v2;
	v8 =	vmul.f32 v8, v2  }
.LBB2_7:
0x8a: {  	p1 =	sne.s32 s4, $0x4F  }
0x8b: {  	v4 =	vmul.f32 v4, v2;
	v3 =	vmul.f32 v3, v2;
	[tilespmem:s0+$0x30] =	vst v9;
	s6 =	sadd.s32 $0x80, s6;
	s7 =	smov.u32 s4;
	s4 =	sadd.s32 $0x1, s4  }
0x8c: {  	[tilespmem:s0+$0xFFFFFFC0] =	vst v7;
	v7 =	vmul.f32 v1, v2;
	v2 =	vmul.f32 v5, v2  }
0x8d: {  	s7 =	sadd.s32 s7, s2;
	[tilespmem:s0+$0x10] =	vst v8  }
0x8e: {  	v5 =	vmov s7;
	[tilespmem:s0+$0xFFFFFFE0] =	vst v6  }
0x8f: {  	v1 =	vld [tilespmem:s6+$0xFFFFFFF0];
	[tilespmem:s0+$0xFFFFFFF0] =	vst v7  }
0x90: {  	v6 =	vld [tilespmem:s6+$0x30];
	[tilespmem:s0+$0x0] =	vst v2  }
0x91: {  	v8 =	vld [tilespmem:s6+$0x10];
	[tilespmem:s0+$0x20] =	vst v3  }
0x92: {  	v7 =	vld [tilespmem:s6+$0xFFFFFFC0];
	[tilespmem:s0+$0xFFFFFFD0] =	vst v4;
	s0 =	smov.u32 s6  }
0x93: {  	v2 =	vld.idx.msk [tilespmem:v5+s22+$0x0], $0xffff  }
0x94: {  	v10 =	vld [tilespmem:s6+$0xFFFFFFE0]  }
0x95: {  	v3 =	vld [tilespmem:s6+$0x20]  }
.Ltmp2:
0x96: {  	v4 =	vld [tilespmem:s6+$0xFFFFFFD0];
	(pc) =	sbr.rel @p1 .LBB2_7-.Ltmp2, $3  }
0x97: {  	v5 =	vld [tilespmem:s6+$0x0];
	_ =	sdelay $0x1  }
0x98: {  	v7 =	vmul.f32 v7, v2;
	v9 =	vmul.f32 v6, v2  }
0x99: {  	v8 =	vmul.f32 v8, v2;
	v6 =	vmul.f32 v10, v2  }
0x9a: {  	[tilespmem:s0+$0x30] =	vst v9  }
0x9b: {  	[tilespmem:s0+$0xFFFFFFC0] =	vst v7  }
0x9c: {  	v1 =	vmul.f32 v1, v2;
	[tilespmem:s0+$0x10] =	vst v8  }
0x9d: {  	v3 =	vmul.f32 v3, v2;
	[tilespmem:s0+$0xFFFFFFE0] =	vst v6  }
0x9e: {  	v5 =	vmul.f32 v5, v2;
	[tilespmem:s0+$0xFFFFFFF0] =	vst v1  }
0x9f: {  	s21 =	sadd.s32 $0x1, s21;
	v1 =	vmul.f32 v4, v2;
	[tilespmem:s0+$0x20] =	vst v3  }
0xa0: {  	p1 =	sne.s32 s21, $0x3E;
	[tilespmem:s0+$0x0] =	vst v5  }
.Ltmp3:
0xa1: {  	s29 =	sadd.s32 $0x2710, s29;
	[tilespmem:s0+$0xFFFFFFD0] =	vst v1;
	(pc) =	sbr.rel @p1 .LBB2_4-.Ltmp3, $4  }
0xa2: {  	[spmem:s3] =	stream.indirect.scatter.add.f32 [tilespmem:s24], [sflag:$0x3], $0x80, s29, s23, $0xb8;
	[tilespmem:$0x1FDB0] =	vst v63  }
0xa3: {  	_ =	swait.ge [sflag:s20], $0x2800  }
0xa4: {  	[sflag:s20] =	ssyncset.done $0x0  }
0xa5: {  	s31 =	sadd.s32 $0xA0, s31;
	s2 =	sadd.s32 $0xA0, s2;
	[sflag:s20] =	ssyncadd.s32 $0xFFFFD800  }
0xa6: {  	_ =	swait.ge [sflag:s26], $0x2800;
	s0 =	simm.s32 $0x26C0  }
0xa7: {  	[sflag:s26] =	ssyncset.done $0x0;
	v1 =	vmov s0  }
0xa8: {  	s0 =	simm.s32 $0x7570;
	[sflag:s26] =	ssyncadd.s32 $0xFFFFD800  }
0xa9: {  	v5 =	vld [tilespmem:s0+$0x30]  }
0xaa: {  	v8 =	vld [tilespmem:s0+$0x10]  }
0xab: {  	v6 =	vld [tilespmem:s0+$0xFFFFFFC0]  }
0xac: {  	v2 =	vld.idx.msk [tilespmem:v1+s22+$0x0], $0xffff  }
0xad: {  	v10 =	vld [tilespmem:s0+$0xFFFFFFE0]  }
0xae: {  	v3 =	vld [tilespmem:s0+$0x20]  }
0xaf: {  	v4 =	vld [tilespmem:s0+$0xFFFFFFD0]  }
0xb0: {  	v1 =	vld [tilespmem:s0+$0xFFFFFFF0]  }
0xb1: {  	v9 =	vmul.f32 v5, v2;
	v5 =	vld [tilespmem:s0+$0x0]  }
0xb2: {  	v7 =	vmul.f32 v6, v2  }
0xb3: {  	s2 =	simm.s32 $0x26C1;
	s4 =	simm.s32 $0x7570;
	v6 =	vmul.f32 v10, v2;
	v8 =	vmul.f32 v8, v2  }
.LBB2_10:
0xb4: {  	p1 =	sne.s32 s2, $0x270F  }
0xb5: {  	v4 =	vmul.f32 v4, v2;
	v3 =	vmul.f32 v3, v2;
	[tilespmem:s0+$0x30] =	vst v9;
	s4 =	sadd.s32 $0x80, s4;
	s6 =	smov.u32 s2;
	s2 =	sadd.s32 $0x1, s2  }
0xb6: {  	[tilespmem:s0+$0xFFFFFFC0] =	vst v7;
	v7 =	vmul.f32 v1, v2;
	v2 =	vmul.f32 v5, v2  }
0xb7: {  	[tilespmem:s0+$0x10] =	vst v8  }
0xb8: {  	v5 =	vmov s6;
	[tilespmem:s0+$0xFFFFFFE0] =	vst v6  }
0xb9: {  	v1 =	vld [tilespmem:s4+$0xFFFFFFF0];
	[tilespmem:s0+$0xFFFFFFF0] =	vst v7  }
0xba: {  	v6 =	vld [tilespmem:s4+$0x30];
	[tilespmem:s0+$0x0] =	vst v2  }
0xbb: {  	v8 =	vld [tilespmem:s4+$0x10];
	[tilespmem:s0+$0x20] =	vst v3  }
0xbc: {  	v7 =	vld [tilespmem:s4+$0xFFFFFFC0];
	[tilespmem:s0+$0xFFFFFFD0] =	vst v4;
	s0 =	smov.u32 s4  }
0xbd: {  	v2 =	vld.idx.msk [tilespmem:v5+s22+$0x0], $0xffff  }
0xbe: {  	v10 =	vld [tilespmem:s4+$0xFFFFFFE0]  }
0xbf: {  	v3 =	vld [tilespmem:s4+$0x20]  }
.Ltmp4:
0xc0: {  	v4 =	vld [tilespmem:s4+$0xFFFFFFD0];
	(pc) =	sbr.rel @p1 .LBB2_10-.Ltmp4, $3  }
0xc1: {  	v5 =	vld [tilespmem:s4+$0x0];
	_ =	sdelay $0x1  }
0xc2: {  	v7 =	vmul.f32 v7, v2;
	v9 =	vmul.f32 v6, v2  }
0xc3: {  	v8 =	vmul.f32 v8, v2;
	v6 =	vmul.f32 v10, v2  }
0xc4: {  	[tilespmem:s0+$0x30] =	vst v9  }
0xc5: {  	[tilespmem:s0+$0xFFFFFFC0] =	vst v7  }
0xc6: {  	v1 =	vmul.f32 v1, v2;
	[tilespmem:s0+$0x10] =	vst v8  }
0xc7: {  	v3 =	vmul.f32 v3, v2;
	[tilespmem:s0+$0xFFFFFFE0] =	vst v6  }
0xc8: {  	v5 =	vmul.f32 v5, v2;
	[tilespmem:s0+$0xFFFFFFF0] =	vst v1  }
0xc9: {  	v1 =	vmul.f32 v4, v2;
	[tilespmem:s0+$0x20] =	vst v3  }
0xca: {  	[tilespmem:s0+$0x0] =	vst v5  }
0xcb: {  	s31 =	simm.s32 $0x4DD0;
	[tilespmem:s0+$0xFFFFFFD0] =	vst v1  }
0xcc: {  	[spmem:s3] =	stream.indirect.scatter.add.f32 [tilespmem:s19], [sflag:$0x3], $0x80, s31, s23, $0xb8;
	[tilespmem:$0x1FDB0] =	vst v63  }
0xcd: {  	_ =	swait.ge [sflag:s20], $0x2800  }
0xce: {  	[sflag:s20] =	ssyncset.done $0x0  }
0xcf: {  	[sflag:s20] =	ssyncadd.s32 $0xFFFFD800  }
0xd0: {  	s0 =	simm.s32 @p0 $0x1FC3;
	[bflag:$0x0] =	sbarrier.arrive $0xFFFF  }
0xd1: {  	[hbm:s17], [sflag:s0] =	dma.local @p0 [spmem:s25], $0x1900  }
0xd2: {  	s0 =	simm.s32 @p0 $0x3  }
0xd3: {  	s2 =	stileid.u32;
	s30 =	sadd.s32 $0x1, s30;
	_ =	swait.ge @p0 [sflag:s0], $0x1900  }
0xd4: {  	s2 =	sshll.u32 @!p0 s2, $0x6;
	p1 =	sne.s32 s30, s18;
	[sflag:s0] =	ssyncset.done @p0 $0x0  }
0xd5: {  	[sflag:s0] =	ssyncadd.s32 @p0 $0xFFFFE700;
	s0 =	sor.u32 @!p0 $0x1C03, s2;
	s2 =	sshrl.u32 @!p0 s5, $0x3  }
0xd6: {  	[hbm:s16], [sflag:s0] =	dma.local @!p0 [spmem:s2], $0x2800  }
.Ltmp5:
0xd7: {  	_ = 	snop;
	(pc) =	sbr.rel @p1 .LBB2_1-.Ltmp5, $4  }
0xd8: {  	s0 =	simm.s32 @!p0 $0x3  }
0xd9: {  	_ =	swait.ge @!p0 [sflag:s0], $0x2800  }
0xda: {  	[sflag:s0] =	ssyncset.done @!p0 $0x0  }
0xdb: {  	[sflag:s0] =	ssyncadd.s32 @!p0 $0xFFFFD800  }
0xdc: {  	_ =	sfence.sel $0x180000  }
0xdd: {  	[bflag:$0x0] =	sbarrier.arrive $0xFFFF  }
0xde: {  	_ =	strace $0x9000004A  }
0xdf: {  	s0 =	stileid.u32;
	[bflag:$0x2] =	sbarrier.arrive $0xFFFF  }
0xe0: {  	p0 =	sne.s32 s0, $0x0;
	s0 =	rddreg [dreg:$0x3]  }
0xe1: {  	s0 =	sadd.s32 @!p0 $0x100000, s0  }
0xe2: {  	[sflag:s0] =	ssyncadd.tile.s32 @!p0 $0x1;
	_ =	shalt  }
.Lfunc_end2:
_tile_overlayer_lowered:
.L_overlay_start_2:
0xe3: {  	(tag) =	ssettag $0x2  }
0xe4: {  	s0 =	rddreg [dreg:$0x0];
	s2 =	stileid.u32  }
0xe5: {  	s1 =	rddreg [dreg:$0x1];
	p0 =	sne.s32 s2, $0x0  }
0xe6: {  	s3 =	rddreg [dreg:$0x2];
	[bflag:$0x3] =	sbarrier.arrive $0xFFFF;
	s2 =	simm.s32 @!p0 $0x1C03  }
0xe7: {  	[timem:s3], [sflag:s2] =	dma.local @!p0 [hbm:s0], s1  }
0xe8: {  	s0 =	simm.s32 @!p0 $0x3  }
0xe9: {  	_ =	swait.ge @!p0 [sflag:s0], s1  }
0xea: {  	s1 =	ssub.s32 @!p0 $0x0, s1;
	[sflag:s0] =	ssyncset.done @!p0 $0x0  }
0xeb: {  	[sflag:s0] =	ssyncadd.s32 @!p0 s1  }
0xec: {  	[bflag:$0x3] =	sbarrier.arrive $0xFFFF  }
0xed: {  	_ =	shalt  }

</sc_bundles>
